<compile_context>
chip_gen: v7x
topology: tpu7x:2x2x1
jax: 0.10.2.dev20260603
libtpu: 0.0.44.dev20260713+nightly
codegen_flags: <defaults>
</compile_context>

<pallas_src>
import functools

import jax
import jax.numpy as jnp
from jax import lax
from jax.experimental import pallas as pl
from jax.experimental.pallas import tpu as pltpu, tpu_sc as plsc

BATCH = 16384
DIM = 64
ENT = 1_000_000
LANES = 128

_info = plsc.get_sparse_core_info()
_NC, _NS = _info.num_cores, _info.num_subcores
_NW = _NC * _NS
_BW = BATCH // _NW
_NCH = _BW // 16
_SLOTS = 8

_mesh = plsc.VectorSubcoreMesh(core_axis_name="c", subcore_axis_name="s")


@functools.partial(
    pl.kernel,
    mesh=_mesh,
    out_type=jax.ShapeDtypeStruct((DIM, BATCH), jnp.float32),
    scratch_types=[
        pltpu.VMEM((_BW,), jnp.int32),
        pltpu.VMEM((_SLOTS, DIM, LANES), jnp.float32),
        pltpu.VMEM((DIM, _BW), jnp.float32),
        pltpu.SemaphoreType.DMA,
        pltpu.SemaphoreType.DMA,
    ],
    compiler_params=pltpu.CompilerParams(
        use_tc_tiling_on_sc=True, needs_layout_passes=False
    ),
)
def _gather_kernel(idx_hbm, tbl_hbm, out_hbm, idx_v, buf, outbuf, semA, semB):
    w = lax.axis_index("s") * _NC + lax.axis_index("c")
    base = pl.multiple_of(w * _BW, LANES)
    pltpu.sync_copy(idx_hbm.at[pl.ds(base, _BW)], idx_v)
    iota16 = lax.iota(jnp.int32, 16)

    def _issue(vec, g, sem):
        sbase = (g & 1) * 4
        for t in range(4):
            r = vec[g * 4 + t]
            lane0 = pl.multiple_of((r >> 7) * LANES, LANES)
            pltpu.async_copy(
                tbl_hbm.at[:, pl.ds(lane0, LANES)], buf.at[sbase + t], sem
            )

    def _drain(g, sem):
        sbase = (g & 1) * 4
        for t in range(4):
            pltpu.make_async_copy(
                tbl_hbm.at[:, pl.ds(0, LANES)], buf.at[sbase + t], sem
            ).wait()

    def _extract(vec, cl, g):
        sbase = (g & 1) * 4
        for t in range(4):
            jj = g * 4 + t
            r = vec[jj]
            lsplat = jnp.full((16,), r & 127, jnp.int32)
            jsplat = jnp.full((16,), sbase + t, jnp.int32)
            tsplat = jnp.full((16,), cl * 16 + jj, jnp.int32)
            for ck in range(DIM // 16):
                cvec = ck * 16 + iota16
                val = plsc.load_gather(buf, [jsplat, cvec, lsplat])
                plsc.store_scatter(outbuf, [cvec, tsplat], val)

    @pl.loop(0, _NCH)
    def _chunk(cl):
        vec = idx_v[pl.ds(cl * 16, 16)]
        sems = (semA, semB)
        _issue(vec, 0, sems[0])
        for g in range(3):
            _issue(vec, g + 1, sems[(g + 1) & 1])
            _drain(g, sems[g & 1])
            _extract(vec, cl, g)
        _drain(3, sems[1])
        _extract(vec, cl, 3)

    pltpu.sync_copy(outbuf, out_hbm.at[:, pl.ds(base, _BW)])


@jax.jit
def kernel(indexes, entity_table):
    out_t = _gather_kernel(indexes.astype(jnp.int32), entity_table.T)
    return out_t.T

# --- scband reference (transcript-rebuilt; emitter-appended) ---
"""Pipeline reference for scband-pca-reduction-24850680775090 (READ-ONLY COPY).

The authoritative reference and input builder live on the scoring server;
editing this copy changes nothing except your own understanding.
"""

import jax, jax.numpy as jnp
import numpy as np

NUM_ENTITIES = 1000000
ENTITY_AGG_DIM = 64
BATCH = 16384


def setup_inputs(seed: int = 0) -> dict:
    key = jax.random.key(seed)
    k1, k2 = jax.random.split(key)
    indexes = jax.random.randint(k1, (BATCH,), 0, NUM_ENTITIES, dtype=jnp.int64 if jax.config.jax_enable_x64 else jnp.int32)
    entity_table = jax.random.normal(k2, (NUM_ENTITIES, ENTITY_AGG_DIM), dtype=jnp.float32)
    return {"indexes": indexes, "entity_table": entity_table}


def reference(indexes, entity_table):
    # PcaReduction.aggregate with target == EmbeddingTarget.Subject/Object:
    # out = self._entity_embedder(indexes.long())  -> embedding row gather
    out = jnp.take(entity_table, indexes.astype(jnp.int32), axis=0)
    return out

if __name__ == "__main__":
    import jax
    _d = setup_inputs()
    print(jax.jit(kernel)(*tuple(_d.values())))

</pallas_src>

<mosaic_0001>
#map = affine_map<(d0, d1) -> (0)>
#map1 = affine_map<(d0, d1) -> (0, 0)>
module attributes {stable_mosaic.version = 14 : i64} {
  func.func @_gather_kernel(%arg0: i32, %arg1: i32, %arg2: memref<16384xi32, #tpu.memory_space<hbm>>, %arg3: memref<64x1000000xf32, #tpu.memory_space<hbm>>, %arg4: memref<64x16384xf32, #tpu.memory_space<hbm>>, %arg5: memref<512xi32, #tpu.memory_space<vmem>>, %arg6: memref<8x64x128xf32, #tpu.memory_space<vmem>>, %arg7: memref<64x512xf32, #tpu.memory_space<vmem>>, %arg8: memref<!tpu.dma_semaphore, #tpu.memory_space<semaphore_mem>>, %arg9: memref<!tpu.dma_semaphore, #tpu.memory_space<semaphore_mem>>) attributes {dimension_semantics = [#tpu.dimension_semantics<core_parallel>, #tpu.dimension_semantics<subcore_parallel>], iteration_bounds = array<i64: 2, 16>, scalar_prefetch = 0 : i64, scratch_operands = 5 : i64, tpu.core_type = #tpu.core_type<sc_vector_subcore>, window_params = [{transform_indices = #map}, {transform_indices = #map1}, {transform_indices = #map1}]} {
    %mul3A = arith.constant 2 : i32
    %mul3A_0 = arith.muli %arg1, %mul3A : i32
    %add3A = arith.addi %mul3A_0, %arg0 : i32
    %mul3A_1 = arith.constant 512 : i32
    %mul3A_2 = arith.muli %add3A, %mul3A_1 : i32
    %multiple_of3A = tpu.assume_multiple %mul3A_2, 128 : i32
    "tpu.region"() ({
      %run_scoped3A = tpu.sem_alloc : memref<!tpu.dma_semaphore, #tpu.memory_space<semaphore_mem>>
      %dma_start3A = tpu.memref_slice %arg2[%multiple_of3A] : memref<16384xi32, #tpu.memory_space<hbm>> -> memref<512xi32, #tpu.memory_space<hbm>>
      %dma_start3A_7 = tpu.memref_slice %arg2[%multiple_of3A] : memref<16384xi32, #tpu.memory_space<hbm>> -> memref<512xi32, #tpu.memory_space<hbm>>
      tpu.enqueue_dma source(%dma_start3A_7 : memref<512xi32, #tpu.memory_space<hbm>>) target(%arg5 : memref<512xi32, #tpu.memory_space<vmem>>) target_semaphore(%run_scoped3A : memref<!tpu.dma_semaphore, #tpu.memory_space<semaphore_mem>>)
      %dma_wait3A = tpu.memref_slice %arg2[%multiple_of3A] : memref<16384xi32, #tpu.memory_space<hbm>> -> memref<512xi32, #tpu.memory_space<hbm>>
      %dma_wait3A_8 = tpu.memref_slice %arg2[%multiple_of3A] : memref<16384xi32, #tpu.memory_space<hbm>> -> memref<512xi32, #tpu.memory_space<hbm>>
      tpu.wait_dma2 semaphore(%run_scoped3A : memref<!tpu.dma_semaphore, #tpu.memory_space<semaphore_mem>>) src(%dma_wait3A_8 : memref<512xi32, #tpu.memory_space<hbm>>) dst(%arg5 : memref<512xi32, #tpu.memory_space<vmem>>)
      tpu.yield
    }) : () -> ()
    %iota3A = tpu.iota {dimensions = array<i32: 0>} : vector<16xi32>
    %scan3A = arith.constant 0 : i32
    %scan3A_3 = arith.constant 32 : i32
    %scan3A_4 = arith.addi %scan3A, %scan3A_3 : i32
    %scan3A_5 = arith.constant 1 : i32
    scf.for %scan3A_7 = %scan3A to %scan3A_4 step %scan3A_5  : i32 {
      %mul3A_8 = arith.constant 1 : i32
      %mul3A_9 = arith.muli %scan3A_7, %mul3A_8 : i32
      %add3A_10 = arith.constant 0 : i32
      %add3A_11 = arith.addi %add3A_10, %mul3A_9 : i32
      %mul3A_12 = arith.constant 16 : i32
      %mul3A_13 = arith.muli %add3A_11, %mul3A_12 : i32
      %get3A = arith.index_cast %mul3A_13 : i32 to index
      %get3A_14 = tpu.vector_load %arg5[%get3A] {strides = array<i32>} : memref<512xi32, #tpu.memory_space<vmem>>, vector<16xi32>,
      %slice3A = vector.extract_strided_slice %get3A_14 {offsets = [0], sizes = [1], strides = [1]} : vector<16xi32> to vector<1xi32>
      %squeeze3A = vector.extract %slice3A[0] : i32 from vector<1xi32>
      %shift_right_arithmetic3A = arith.constant 7 : i32
      %shift_right_arithmetic3A_15 = arith.shrsi %squeeze3A, %shift_right_arithmetic3A : i32
      %mul3A_16 = arith.constant 128 : i32
      %mul3A_17 = arith.muli %shift_right_arithmetic3A_15, %mul3A_16 : i32
      %multiple_of3A_18 = tpu.assume_multiple %mul3A_17, 128 : i32
      %dma_start3A = arith.constant 0 : i32
      %dma_start3A_19 = arith.constant 0 : i32
      %dma_start3A_20 = arith.constant 0 : i32
      %dma_start3A_21 = tpu.memref_slice %arg6[%dma_start3A, %dma_start3A_19, %dma_start3A_20] : memref<8x64x128xf32, #tpu.memory_space<vmem>> -> memref<1x64x128xf32, #tpu.memory_space<vmem>>
      %dma_start3A_22 = tpu.memref_squeeze %dma_start3A_21 : memref<1x64x128xf32, #tpu.memory_space<vmem>> -> memref<64x128xf32, #tpu.memory_space<vmem>>
      %dma_start3A_23 = arith.constant 0 : i32
      %dma_start3A_24 = tpu.memref_slice %arg3[%dma_start3A_23, %multiple_of3A_18] : memref<64x1000000xf32, #tpu.memory_space<hbm>> -> memref<64x128xf32, #tpu.memory_space<hbm>>
      %dma_start3A_25 = arith.constant 0 : i32
      %dma_start3A_26 = arith.constant 0 : i32
      %dma_start3A_27 = tpu.memref_slice %arg6[%dma_start3A, %dma_start3A_25, %dma_start3A_26] : memref<8x64x128xf32, #tpu.memory_space<vmem>> -> memref<1x64x128xf32, #tpu.memory_space<vmem>>
      %dma_start3A_28 = tpu.memref_squeeze %dma_start3A_27 : memref<1x64x128xf32, #tpu.memory_space<vmem>> -> memref<64x128xf32, #tpu.memory_space<vmem>>
      %dma_start3A_29 = arith.constant 0 : i32
      %dma_start3A_30 = tpu.memref_slice %arg3[%dma_start3A_29, %multiple_of3A_18] : memref<64x1000000xf32, #tpu.memory_space<hbm>> -> memref<64x128xf32, #tpu.memory_space<hbm>>
      tpu.enqueue_dma source(%dma_start3A_30 : memref<64x128xf32, #tpu.memory_space<hbm>>) target(%dma_start3A_28 : memref<64x128xf32, #tpu.memory_space<vmem>>) target_semaphore(%arg8 : memref<!tpu.dma_semaphore, #tpu.memory_space<semaphore_mem>>)
      %slice3A_31 = vector.extract_strided_slice %get3A_14 {offsets = [1], sizes = [1], strides = [1]} : vector<16xi32> to vector<1xi32>
      %squeeze3A_32 = vector.extract %slice3A_31[0] : i32 from vector<1xi32>
      %shift_right_arithmetic3A_33 = arith.constant 7 : i32
      %shift_right_arithmetic3A_34 = arith.shrsi %squeeze3A_32, %shift_right_arithmetic3A_33 : i32
      %mul3A_35 = arith.constant 128 : i32
      %mul3A_36 = arith.muli %shift_right_arithmetic3A_34, %mul3A_35 : i32
      %multiple_of3A_37 = tpu.assume_multiple %mul3A_36, 128 : i32
      %dma_start3A_38 = arith.constant 1 : i32
      %dma_start3A_39 = arith.constant 0 : i32
      %dma_start3A_40 = arith.constant 0 : i32
      %dma_start3A_41 = tpu.memref_slice %arg6[%dma_start3A_38, %dma_start3A_39, %dma_start3A_40] : memref<8x64x128xf32, #tpu.memory_space<vmem>> -> memref<1x64x128xf32, #tpu.memory_space<vmem>>
      %dma_start3A_42 = tpu.memref_squeeze %dma_start3A_41 : memref<1x64x128xf32, #tpu.memory_space<vmem>> -> memref<64x128xf32, #tpu.memory_space<vmem>>
      %dma_start3A_43 = arith.constant 0 : i32
      %dma_start3A_44 = tpu.memref_slice %arg3[%dma_start3A_43, %multiple_of3A_37] : memref<64x1000000xf32, #tpu.memory_space<hbm>> -> memref<64x128xf32, #tpu.memory_space<hbm>>
      %dma_start3A_45 = arith.constant 0 : i32
      %dma_start3A_46 = arith.constant 0 : i32
      %dma_start3A_47 = tpu.memref_slice %arg6[%dma_start3A_38, %dma_start3A_45, %dma_start3A_46] : memref<8x64x128xf32, #tpu.memory_space<vmem>> -> memref<1x64x128xf32, #tpu.memory_space<vmem>>
      %dma_start3A_48 = tpu.memref_squeeze %dma_start3A_47 : memref<1x64x128xf32, #tpu.memory_space<vmem>> -> memref<64x128xf32, #tpu.memory_space<vmem>>
      %dma_start3A_49 = arith.constant 0 : i32
      %dma_start3A_50 = tpu.memref_slice %arg3[%dma_start3A_49, %multiple_of3A_37] : memref<64x1000000xf32, #tpu.memory_space<hbm>> -> memref<64x128xf32, #tpu.memory_space<hbm>>
      tpu.enqueue_dma source(%dma_start3A_50 : memref<64x128xf32, #tpu.memory_space<hbm>>) target(%dma_start3A_48 : memref<64x128xf32, #tpu.memory_space<vmem>>) target_semaphore(%arg8 : memref<!tpu.dma_semaphore, #tpu.memory_space<semaphore_mem>>)
      %slice3A_51 = vector.extract_strided_slice %get3A_14 {offsets = [2], sizes = [1], strides = [1]} : vector<16xi32> to vector<1xi32>
      %squeeze3A_52 = vector.extract %slice3A_51[0] : i32 from vector<1xi32>
      %shift_right_arithmetic3A_53 = arith.constant 7 : i32
      %shift_right_arithmetic3A_54 = arith.shrsi %squeeze3A_52, %shift_right_arithmetic3A_53 : i32
      %mul3A_55 = arith.constant 128 : i32
      %mul3A_56 = arith.muli %shift_right_arithmetic3A_54, %mul3A_55 : i32
      %multiple_of3A_57 = tpu.assume_multiple %mul3A_56, 128 : i32
      %dma_start3A_58 = arith.constant 2 : i32
      %dma_start3A_59 = arith.constant 0 : i32
      %dma_start3A_60 = arith.constant 0 : i32
      %dma_start3A_61 = tpu.memref_slice %arg6[%dma_start3A_58, %dma_start3A_59, %dma_start3A_60] : memref<8x64x128xf32, #tpu.memory_space<vmem>> -> memref<1x64x128xf32, #tpu.memory_space<vmem>>
      %dma_start3A_62 = tpu.memref_squeeze %dma_start3A_61 : memref<1x64x128xf32, #tpu.memory_space<vmem>> -> memref<64x128xf32, #tpu.memory_space<vmem>>
      %dma_start3A_63 = arith.constant 0 : i32
      %dma_start3A_64 = tpu.memref_slice %arg3[%dma_start3A_63, %multiple_of3A_57] : memref<64x1000000xf32, #tpu.memory_space<hbm>> -> memref<64x128xf32, #tpu.memory_space<hbm>>
      %dma_start3A_65 = arith.constant 0 : i32
      %dma_start3A_66 = arith.constant 0 : i32
      %dma_start3A_67 = tpu.memref_slice %arg6[%dma_start3A_58, %dma_start3A_65, %dma_start3A_66] : memref<8x64x128xf32, #tpu.memory_space<vmem>> -> memref<1x64x128xf32, #tpu.memory_space<vmem>>
      %dma_start3A_68 = tpu.memref_squeeze %dma_start3A_67 : memref<1x64x128xf32, #tpu.memory_space<vmem>> -> memref<64x128xf32, #tpu.memory_space<vmem>>
      %dma_start3A_69 = arith.constant 0 : i32
      %dma_start3A_70 = tpu.memref_slice %arg3[%dma_start3A_69, %multiple_of3A_57] : memref<64x1000000xf32, #tpu.memory_space<hbm>> -> memref<64x128xf32, #tpu.memory_space<hbm>>
      tpu.enqueue_dma source(%dma_start3A_70 : memref<64x128xf32, #tpu.memory_space<hbm>>) target(%dma_start3A_68 : memref<64x128xf32, #tpu.memory_space<vmem>>) target_semaphore(%arg8 : memref<!tpu.dma_semaphore, #tpu.memory_space<semaphore_mem>>)
      %slice3A_71 = vector.extract_strided_slice %get3A_14 {offsets = [3], sizes = [1], strides = [1]} : vector<16xi32> to vector<1xi32>
      %squeeze3A_72 = vector.extract %slice3A_71[0] : i32 from vector<1xi32>
      %shift_right_arithmetic3A_73 = arith.constant 7 : i32
      %shift_right_arithmetic3A_74 = arith.shrsi %squeeze3A_72, %shift_right_arithmetic3A_73 : i32
      %mul3A_75 = arith.constant 128 : i32
      %mul3A_76 = arith.muli %shift_right_arithmetic3A_74, %mul3A_75 : i32
      %multiple_of3A_77 = tpu.assume_multiple %mul3A_76, 128 : i32
      %dma_start3A_78 = arith.constant 3 : i32
      %dma_start3A_79 = arith.constant 0 : i32
      %dma_start3A_80 = arith.constant 0 : i32
      %dma_start3A_81 = tpu.memref_slice %arg6[%dma_start3A_78, %dma_start3A_79, %dma_start3A_80] : memref<8x64x128xf32, #tpu.memory_space<vmem>> -> memref<1x64x128xf32, #tpu.memory_space<vmem>>
      %dma_start3A_82 = tpu.memref_squeeze %dma_start3A_81 : memref<1x64x128xf32, #tpu.memory_space<vmem>> -> memref<64x128xf32, #tpu.memory_space<vmem>>
      %dma_start3A_83 = arith.constant 0 : i32
      %dma_start3A_84 = tpu.memref_slice %arg3[%dma_start3A_83, %multiple_of3A_77] : memref<64x1000000xf32, #tpu.memory_space<hbm>> -> memref<64x128xf32, #tpu.memory_space<hbm>>
      %dma_start3A_85 = arith.constant 0 : i32
      %dma_start3A_86 = arith.constant 0 : i32
      %dma_start3A_87 = tpu.memref_slice %arg6[%dma_start3A_78, %dma_start3A_85, %dma_start3A_86] : memref<8x64x128xf32, #tpu.memory_space<vmem>> -> memref<1x64x128xf32, #tpu.memory_space<vmem>>
      %dma_start3A_88 = tpu.memref_squeeze %dma_start3A_87 : memref<1x64x128xf32, #tpu.memory_space<vmem>> -> memref<64x128xf32, #tpu.memory_space<vmem>>
      %dma_start3A_89 = arith.constant 0 : i32
      %dma_start3A_90 = tpu.memref_slice %arg3[%dma_start3A_89, %multiple_of3A_77] : memref<64x1000000xf32, #tpu.memory_space<hbm>> -> memref<64x128xf32, #tpu.memory_space<hbm>>
      tpu.enqueue_dma source(%dma_start3A_90 : memref<64x128xf32, #tpu.memory_space<hbm>>) target(%dma_start3A_88 : memref<64x128xf32, #tpu.memory_space<vmem>>) target_semaphore(%arg8 : memref<!tpu.dma_semaphore, #tpu.memory_space<semaphore_mem>>)
      %slice3A_91 = vector.extract_strided_slice %get3A_14 {offsets = [4], sizes = [1], strides = [1]} : vector<16xi32> to vector<1xi32>
      %squeeze3A_92 = vector.extract %slice3A_91[0] : i32 from vector<1xi32>
      %shift_right_arithmetic3A_93 = arith.constant 7 : i32
      %shift_right_arithmetic3A_94 = arith.shrsi %squeeze3A_92, %shift_right_arithmetic3A_93 : i32
      %mul3A_95 = arith.constant 128 : i32
      %mul3A_96 = arith.muli %shift_right_arithmetic3A_94, %mul3A_95 : i32
      %multiple_of3A_97 = tpu.assume_multiple %mul3A_96, 128 : i32
      %dma_start3A_98 = arith.constant 4 : i32
      %dma_start3A_99 = arith.constant 0 : i32
      %dma_start3A_100 = arith.constant 0 : i32
      %dma_start3A_101 = tpu.memref_slice %arg6[%dma_start3A_98, %dma_start3A_99, %dma_start3A_100] : memref<8x64x128xf32, #tpu.memory_space<vmem>> -> memref<1x64x128xf32, #tpu.memory_space<vmem>>
      %dma_start3A_102 = tpu.memref_squeeze %dma_start3A_101 : memref<1x64x128xf32, #tpu.memory_space<vmem>> -> memref<64x128xf32, #tpu.memory_space<vmem>>
      %dma_start3A_103 = arith.constant 0 : i32
      %dma_start3A_104 = tpu.memref_slice %arg3[%dma_start3A_103, %multiple_of3A_97] : memref<64x1000000xf32, #tpu.memory_space<hbm>> -> memref<64x128xf32, #tpu.memory_space<hbm>>
      %dma_start3A_105 = arith.constant 0 : i32
      %dma_start3A_106 = arith.constant 0 : i32
      %dma_start3A_107 = tpu.memref_slice %arg6[%dma_start3A_98, %dma_start3A_105, %dma_start3A_106] : memref<8x64x128xf32, #tpu.memory_space<vmem>> -> memref<1x64x128xf32, #tpu.memory_space<vmem>>
      %dma_start3A_108 = tpu.memref_squeeze %dma_start3A_107 : memref<1x64x128xf32, #tpu.memory_space<vmem>> -> memref<64x128xf32, #tpu.memory_space<vmem>>
      %dma_start3A_109 = arith.constant 0 : i32
      %dma_start3A_110 = tpu.memref_slice %arg3[%dma_start3A_109, %multiple_of3A_97] : memref<64x1000000xf32, #tpu.memory_space<hbm>> -> memref<64x128xf32, #tpu.memory_space<hbm>>
      tpu.enqueue_dma source(%dma_start3A_110 : memref<64x128xf32, #tpu.memory_space<hbm>>) target(%dma_start3A_108 : memref<64x128xf32, #tpu.memory_space<vmem>>) target_semaphore(%arg9 : memref<!tpu.dma_semaphore, #tpu.memory_space<semaphore_mem>>)
      %slice3A_111 = vector.extract_strided_slice %get3A_14 {offsets = [5], sizes = [1], strides = [1]} : vector<16xi32> to vector<1xi32>
      %squeeze3A_112 = vector.extract %slice3A_111[0] : i32 from vector<1xi32>
      %shift_right_arithmetic3A_113 = arith.constant 7 : i32
      %shift_right_arithmetic3A_114 = arith.shrsi %squeeze3A_112, %shift_right_arithmetic3A_113 : i32
      %mul3A_115 = arith.constant 128 : i32
      %mul3A_116 = arith.muli %shift_right_arithmetic3A_114, %mul3A_115 : i32
      %multiple_of3A_117 = tpu.assume_multiple %mul3A_116, 128 : i32
      %dma_start3A_118 = arith.constant 5 : i32
      %dma_start3A_119 = arith.constant 0 : i32
      %dma_start3A_120 = arith.constant 0 : i32
      %dma_start3A_121 = tpu.memref_slice %arg6[%dma_start3A_118, %dma_start3A_119, %dma_start3A_120] : memref<8x64x128xf32, #tpu.memory_space<vmem>> -> memref<1x64x128xf32, #tpu.memory_space<vmem>>
      %dma_start3A_122 = tpu.memref_squeeze %dma_start3A_121 : memref<1x64x128xf32, #tpu.memory_space<vmem>> -> memref<64x128xf32, #tpu.memory_space<vmem>>
      %dma_start3A_123 = arith.constant 0 : i32
      %dma_start3A_124 = tpu.memref_slice %arg3[%dma_start3A_123, %multiple_of3A_117] : memref<64x1000000xf32, #tpu.memory_space<hbm>> -> memref<64x128xf32, #tpu.memory_space<hbm>>
      %dma_start3A_125 = arith.constant 0 : i32
      %dma_start3A_126 = arith.constant 0 : i32
      %dma_start3A_127 = tpu.memref_slice %arg6[%dma_start3A_118, %dma_start3A_125, %dma_start3A_126] : memref<8x64x128xf32, #tpu.memory_space<vmem>> -> memref<1x64x128xf32, #tpu.memory_space<vmem>>
      %dma_start3A_128 = tpu.memref_squeeze %dma_start3A_127 : memref<1x64x128xf32, #tpu.memory_space<vmem>> -> memref<64x128xf32, #tpu.memory_space<vmem>>
      %dma_start3A_129 = arith.constant 0 : i32
      %dma_start3A_130 = tpu.memref_slice %arg3[%dma_start3A_129, %multiple_of3A_117] : memref<64x1000000xf32, #tpu.memory_space<hbm>> -> memref<64x128xf32, #tpu.memory_space<hbm>>
      tpu.enqueue_dma source(%dma_start3A_130 : memref<64x128xf32, #tpu.memory_space<hbm>>) target(%dma_start3A_128 : memref<64x128xf32, #tpu.memory_space<vmem>>) target_semaphore(%arg9 : memref<!tpu.dma_semaphore, #tpu.memory_space<semaphore_mem>>)
      %slice3A_131 = vector.extract_strided_slice %get3A_14 {offsets = [6], sizes = [1], strides = [1]} : vector<16xi32> to vector<1xi32>
      %squeeze3A_132 = vector.extract %slice3A_131[0] : i32 from vector<1xi32>
      %shift_right_arithmetic3A_133 = arith.constant 7 : i32
      %shift_right_arithmetic3A_134 = arith.shrsi %squeeze3A_132, %shift_right_arithmetic3A_133 : i32
      %mul3A_135 = arith.constant 128 : i32
      %mul3A_136 = arith.muli %shift_right_arithmetic3A_134, %mul3A_135 : i32
      %multiple_of3A_137 = tpu.assume_multiple %mul3A_136, 128 : i32
      %dma_start3A_138 = arith.constant 6 : i32
      %dma_start3A_139 = arith.constant 0 : i32
      %dma_start3A_140 = arith.constant 0 : i32
      %dma_start3A_141 = tpu.memref_slice %arg6[%dma_start3A_138, %dma_start3A_139, %dma_start3A_140] : memref<8x64x128xf32, #tpu.memory_space<vmem>> -> memref<1x64x128xf32, #tpu.memory_space<vmem>>
      %dma_start3A_142 = tpu.memref_squeeze %dma_start3A_141 : memref<1x64x128xf32, #tpu.memory_space<vmem>> -> memref<64x128xf32, #tpu.memory_space<vmem>>
      %dma_start3A_143 = arith.constant 0 : i32
      %dma_start3A_144 = tpu.memref_slice %arg3[%dma_start3A_143, %multiple_of3A_137] : memref<64x1000000xf32, #tpu.memory_space<hbm>> -> memref<64x128xf32, #tpu.memory_space<hbm>>
      %dma_start3A_145 = arith.constant 0 : i32
      %dma_start3A_146 = arith.constant 0 : i32
      %dma_start3A_147 = tpu.memref_slice %arg6[%dma_start3A_138, %dma_start3A_145, %dma_start3A_146] : memref<8x64x128xf32, #tpu.memory_space<vmem>> -> memref<1x64x128xf32, #tpu.memory_space<vmem>>
      %dma_start3A_148 = tpu.memref_squeeze %dma_start3A_147 : memref<1x64x128xf32, #tpu.memory_space<vmem>> -> memref<64x128xf32, #tpu.memory_space<vmem>>
      %dma_start3A_149 = arith.constant 0 : i32
      %dma_start3A_150 = tpu.memref_slice %arg3[%dma_start3A_149, %multiple_of3A_137] : memref<64x1000000xf32, #tpu.memory_space<hbm>> -> memref<64x128xf32, #tpu.memory_space<hbm>>
      tpu.enqueue_dma source(%dma_start3A_150 : memref<64x128xf32, #tpu.memory_space<hbm>>) target(%dma_start3A_148 : memref<64x128xf32, #tpu.memory_space<vmem>>) target_semaphore(%arg9 : memref<!tpu.dma_semaphore, #tpu.memory_space<semaphore_mem>>)
      %slice3A_151 = vector.extract_strided_slice %get3A_14 {offsets = [7], sizes = [1], strides = [1]} : vector<16xi32> to vector<1xi32>
      %squeeze3A_152 = vector.extract %slice3A_151[0] : i32 from vector<1xi32>
      %shift_right_arithmetic3A_153 = arith.constant 7 : i32
      %shift_right_arithmetic3A_154 = arith.shrsi %squeeze3A_152, %shift_right_arithmetic3A_153 : i32
      %mul3A_155 = arith.constant 128 : i32
      %mul3A_156 = arith.muli %shift_right_arithmetic3A_154, %mul3A_155 : i32
      %multiple_of3A_157 = tpu.assume_multiple %mul3A_156, 128 : i32
      %dma_start3A_158 = arith.constant 7 : i32
      %dma_start3A_159 = arith.constant 0 : i32
      %dma_start3A_160 = arith.constant 0 : i32
      %dma_start3A_161 = tpu.memref_slice %arg6[%dma_start3A_158, %dma_start3A_159, %dma_start3A_160] : memref<8x64x128xf32, #tpu.memory_space<vmem>> -> memref<1x64x128xf32, #tpu.memory_space<vmem>>
      %dma_start3A_162 = tpu.memref_squeeze %dma_start3A_161 : memref<1x64x128xf32, #tpu.memory_space<vmem>> -> memref<64x128xf32, #tpu.memory_space<vmem>>
      %dma_start3A_163 = arith.constant 0 : i32
      %dma_start3A_164 = tpu.memref_slice %arg3[%dma_start3A_163, %multiple_of3A_157] : memref<64x1000000xf32, #tpu.memory_space<hbm>> -> memref<64x128xf32, #tpu.memory_space<hbm>>
      %dma_start3A_165 = arith.constant 0 : i32
      %dma_start3A_166 = arith.constant 0 : i32
      %dma_start3A_167 = tpu.memref_slice %arg6[%dma_start3A_158, %dma_start3A_165, %dma_start3A_166] : memref<8x64x128xf32, #tpu.memory_space<vmem>> -> memref<1x64x128xf32, #tpu.memory_space<vmem>>
      %dma_start3A_168 = tpu.memref_squeeze %dma_start3A_167 : memref<1x64x128xf32, #tpu.memory_space<vmem>> -> memref<64x128xf32, #tpu.memory_space<vmem>>
      %dma_start3A_169 = arith.constant 0 : i32
      %dma_start3A_170 = tpu.memref_slice %arg3[%dma_start3A_169, %multiple_of3A_157] : memref<64x1000000xf32, #tpu.memory_space<hbm>> -> memref<64x128xf32, #tpu.memory_space<hbm>>
      tpu.enqueue_dma source(%dma_start3A_170 : memref<64x128xf32, #tpu.memory_space<hbm>>) target(%dma_start3A_168 : memref<64x128xf32, #tpu.memory_space<vmem>>) target_semaphore(%arg9 : memref<!tpu.dma_semaphore, #tpu.memory_space<semaphore_mem>>)
      %dma_wait3A = arith.constant 0 : i32
      %dma_wait3A_171 = arith.constant 0 : i32
      %dma_wait3A_172 = arith.constant 0 : i32
      %dma_wait3A_173 = tpu.memref_slice %arg6[%dma_wait3A, %dma_wait3A_171, %dma_wait3A_172] : memref<8x64x128xf32, #tpu.memory_space<vmem>> -> memref<1x64x128xf32, #tpu.memory_space<vmem>>
      %dma_wait3A_174 = tpu.memref_squeeze %dma_wait3A_173 : memref<1x64x128xf32, #tpu.memory_space<vmem>> -> memref<64x128xf32, #tpu.memory_space<vmem>>
      %dma_wait3A_175 = arith.constant 0 : i32
      %dma_wait3A_176 = arith.constant 0 : i32
      %dma_wait3A_177 = tpu.memref_slice %arg3[%dma_wait3A_175, %dma_wait3A_176] : memref<64x1000000xf32, #tpu.memory_space<hbm>> -> memref<64x128xf32, #tpu.memory_space<hbm>>
      %dma_wait3A_178 = arith.constant 0 : i32
      %dma_wait3A_179 = arith.constant 0 : i32
      %dma_wait3A_180 = tpu.memref_slice %arg6[%dma_wait3A, %dma_wait3A_178, %dma_wait3A_179] : memref<8x64x128xf32, #tpu.memory_space<vmem>> -> memref<1x64x128xf32, #tpu.memory_space<vmem>>
      %dma_wait3A_181 = tpu.memref_squeeze %dma_wait3A_180 : memref<1x64x128xf32, #tpu.memory_space<vmem>> -> memref<64x128xf32, #tpu.memory_space<vmem>>
      %dma_wait3A_182 = arith.constant 0 : i32
      %dma_wait3A_183 = arith.constant 0 : i32
      %dma_wait3A_184 = tpu.memref_slice %arg3[%dma_wait3A_182, %dma_wait3A_183] : memref<64x1000000xf32, #tpu.memory_space<hbm>> -> memref<64x128xf32, #tpu.memory_space<hbm>>
      tpu.wait_dma2 semaphore(%arg8 : memref<!tpu.dma_semaphore, #tpu.memory_space<semaphore_mem>>) src(%dma_wait3A_184 : memref<64x128xf32, #tpu.memory_space<hbm>>) dst(%dma_wait3A_181 : memref<64x128xf32, #tpu.memory_space<vmem>>)
      %dma_wait3A_185 = arith.constant 1 : i32
      %dma_wait3A_186 = arith.constant 0 : i32
      %dma_wait3A_187 = arith.constant 0 : i32
      %dma_wait3A_188 = tpu.memref_slice %arg6[%dma_wait3A_185, %dma_wait3A_186, %dma_wait3A_187] : memref<8x64x128xf32, #tpu.memory_space<vmem>> -> memref<1x64x128xf32, #tpu.memory_space<vmem>>
      %dma_wait3A_189 = tpu.memref_squeeze %dma_wait3A_188 : memref<1x64x128xf32, #tpu.memory_space<vmem>> -> memref<64x128xf32, #tpu.memory_space<vmem>>
      %dma_wait3A_190 = arith.constant 0 : i32
      %dma_wait3A_191 = arith.constant 0 : i32
      %dma_wait3A_192 = tpu.memref_slice %arg3[%dma_wait3A_190, %dma_wait3A_191] : memref<64x1000000xf32, #tpu.memory_space<hbm>> -> memref<64x128xf32, #tpu.memory_space<hbm>>
      %dma_wait3A_193 = arith.constant 0 : i32
      %dma_wait3A_194 = arith.constant 0 : i32
      %dma_wait3A_195 = tpu.memref_slice %arg6[%dma_wait3A_185, %dma_wait3A_193, %dma_wait3A_194] : memref<8x64x128xf32, #tpu.memory_space<vmem>> -> memref<1x64x128xf32, #tpu.memory_space<vmem>>
      %dma_wait3A_196 = tpu.memref_squeeze %dma_wait3A_195 : memref<1x64x128xf32, #tpu.memory_space<vmem>> -> memref<64x128xf32, #tpu.memory_space<vmem>>
      %dma_wait3A_197 = arith.constant 0 : i32
      %dma_wait3A_198 = arith.constant 0 : i32
      %dma_wait3A_199 = tpu.memref_slice %arg3[%dma_wait3A_197, %dma_wait3A_198] : memref<64x1000000xf32, #tpu.memory_space<hbm>> -> memref<64x128xf32, #tpu.memory_space<hbm>>
      tpu.wait_dma2 semaphore(%arg8 : memref<!tpu.dma_semaphore, #tpu.memory_space<semaphore_mem>>) src(%dma_wait3A_199 : memref<64x128xf32, #tpu.memory_space<hbm>>) dst(%dma_wait3A_196 : memref<64x128xf32, #tpu.memory_space<vmem>>)
      %dma_wait3A_200 = arith.constant 2 : i32
      %dma_wait3A_201 = arith.constant 0 : i32
      %dma_wait3A_202 = arith.constant 0 : i32
      %dma_wait3A_203 = tpu.memref_slice %arg6[%dma_wait3A_200, %dma_wait3A_201, %dma_wait3A_202] : memref<8x64x128xf32, #tpu.memory_space<vmem>> -> memref<1x64x128xf32, #tpu.memory_space<vmem>>
      %dma_wait3A_204 = tpu.memref_squeeze %dma_wait3A_203 : memref<1x64x128xf32, #tpu.memory_space<vmem>> -> memref<64x128xf32, #tpu.memory_space<vmem>>
      %dma_wait3A_205 = arith.constant 0 : i32
      %dma_wait3A_206 = arith.constant 0 : i32
      %dma_wait3A_207 = tpu.memref_slice %arg3[%dma_wait3A_205, %dma_wait3A_206] : memref<64x1000000xf32, #tpu.memory_space<hbm>> -> memref<64x128xf32, #tpu.memory_space<hbm>>
      %dma_wait3A_208 = arith.constant 0 : i32
      %dma_wait3A_209 = arith.constant 0 : i32
      %dma_wait3A_210 = tpu.memref_slice %arg6[%dma_wait3A_200, %dma_wait3A_208, %dma_wait3A_209] : memref<8x64x128xf32, #tpu.memory_space<vmem>> -> memref<1x64x128xf32, #tpu.memory_space<vmem>>
      %dma_wait3A_211 = tpu.memref_squeeze %dma_wait3A_210 : memref<1x64x128xf32, #tpu.memory_space<vmem>> -> memref<64x128xf32, #tpu.memory_space<vmem>>
      %dma_wait3A_212 = arith.constant 0 : i32
      %dma_wait3A_213 = arith.constant 0 : i32
      %dma_wait3A_214 = tpu.memref_slice %arg3[%dma_wait3A_212, %dma_wait3A_213] : memref<64x1000000xf32, #tpu.memory_space<hbm>> -> memref<64x128xf32, #tpu.memory_space<hbm>>
      tpu.wait_dma2 semaphore(%arg8 : memref<!tpu.dma_semaphore, #tpu.memory_space<semaphore_mem>>) src(%dma_wait3A_214 : memref<64x128xf32, #tpu.memory_space<hbm>>) dst(%dma_wait3A_211 : memref<64x128xf32, #tpu.memory_space<vmem>>)
      %dma_wait3A_215 = arith.constant 3 : i32
      %dma_wait3A_216 = arith.constant 0 : i32
      %dma_wait3A_217 = arith.constant 0 : i32
      %dma_wait3A_218 = tpu.memref_slice %arg6[%dma_wait3A_215, %dma_wait3A_216, %dma_wait3A_217] : memref<8x64x128xf32, #tpu.memory_space<vmem>> -> memref<1x64x128xf32, #tpu.memory_space<vmem>>
      %dma_wait3A_219 = tpu.memref_squeeze %dma_wait3A_218 : memref<1x64x128xf32, #tpu.memory_space<vmem>> -> memref<64x128xf32, #tpu.memory_space<vmem>>
      %dma_wait3A_220 = arith.constant 0 : i32
      %dma_wait3A_221 = arith.constant 0 : i32
      %dma_wait3A_222 = tpu.memref_slice %arg3[%dma_wait3A_220, %dma_wait3A_221] : memref<64x1000000xf32, #tpu.memory_space<hbm>> -> memref<64x128xf32, #tpu.memory_space<hbm>>
      %dma_wait3A_223 = arith.constant 0 : i32
      %dma_wait3A_224 = arith.constant 0 : i32
      %dma_wait3A_225 = tpu.memref_slice %arg6[%dma_wait3A_215, %dma_wait3A_223, %dma_wait3A_224] : memref<8x64x128xf32, #tpu.memory_space<vmem>> -> memref<1x64x128xf32, #tpu.memory_space<vmem>>
      %dma_wait3A_226 = tpu.memref_squeeze %dma_wait3A_225 : memref<1x64x128xf32, #tpu.memory_space<vmem>> -> memref<64x128xf32, #tpu.memory_space<vmem>>
      %dma_wait3A_227 = arith.constant 0 : i32
      %dma_wait3A_228 = arith.constant 0 : i32
      %dma_wait3A_229 = tpu.memref_slice %arg3[%dma_wait3A_227, %dma_wait3A_228] : memref<64x1000000xf32, #tpu.memory_space<hbm>> -> memref<64x128xf32, #tpu.memory_space<hbm>>
      tpu.wait_dma2 semaphore(%arg8 : memref<!tpu.dma_semaphore, #tpu.memory_space<semaphore_mem>>) src(%dma_wait3A_229 : memref<64x128xf32, #tpu.memory_space<hbm>>) dst(%dma_wait3A_226 : memref<64x128xf32, #tpu.memory_space<vmem>>)
      %slice3A_230 = vector.extract_strided_slice %get3A_14 {offsets = [0], sizes = [1], strides = [1]} : vector<16xi32> to vector<1xi32>
      %squeeze3A_231 = vector.extract %slice3A_230[0] : i32 from vector<1xi32>
      %and3A = arith.constant 127 : i32
      %and3A_232 = arith.andi %squeeze3A_231, %and3A : i32
      %broadcast_in_dim3A = vector.broadcast %and3A_232 : i32 to vector<16xi32>
      %broadcast_in_dim3A_233 = arith.constant 0 : i32
      %broadcast_in_dim3A_234 = vector.broadcast %broadcast_in_dim3A_233 : i32 to vector<16xi32>
      %mul3A_235 = arith.constant 16 : i32
      %mul3A_236 = arith.muli %add3A_11, %mul3A_235 : i32
      %add3A_237 = arith.constant 0 : i32
      %add3A_238 = arith.addi %mul3A_236, %add3A_237 : i32
      %broadcast_in_dim3A_239 = vector.broadcast %add3A_238 : i32 to vector<16xi32>
      %add3A_240 = arith.constant 0 : i32
      %add3A_241 = vector.broadcast %add3A_240 : i32 to vector<16xi32>
      %add3A_242 = arith.addi %add3A_241, %iota3A : vector<16xi32>
      %gather3A = tpu.vector_load_idx %arg6[%broadcast_in_dim3A_234, %add3A_242, %broadcast_in_dim3A] : memref<8x64x128xf32, #tpu.memory_space<vmem>>[vector<16xi32>, vector<16xi32>, vector<16xi32>], vector<16xf32>,
      tpu.vector_store_idx %arg7[%add3A_242, %broadcast_in_dim3A_239], %gather3A : memref<64x512xf32, #tpu.memory_space<vmem>>[vector<16xi32>, vector<16xi32>], vector<16xf32>,
      %add3A_243 = arith.constant 16 : i32
      %add3A_244 = vector.broadcast %add3A_243 : i32 to vector<16xi32>
      %add3A_245 = arith.addi %add3A_244, %iota3A : vector<16xi32>
      %gather3A_246 = tpu.vector_load_idx %arg6[%broadcast_in_dim3A_234, %add3A_245, %broadcast_in_dim3A] : memref<8x64x128xf32, #tpu.memory_space<vmem>>[vector<16xi32>, vector<16xi32>, vector<16xi32>], vector<16xf32>,
      tpu.vector_store_idx %arg7[%add3A_245, %broadcast_in_dim3A_239], %gather3A_246 : memref<64x512xf32, #tpu.memory_space<vmem>>[vector<16xi32>, vector<16xi32>], vector<16xf32>,
      %add3A_247 = arith.constant 32 : i32
      %add3A_248 = vector.broadcast %add3A_247 : i32 to vector<16xi32>
      %add3A_249 = arith.addi %add3A_248, %iota3A : vector<16xi32>
      %gather3A_250 = tpu.vector_load_idx %arg6[%broadcast_in_dim3A_234, %add3A_249, %broadcast_in_dim3A] : memref<8x64x128xf32, #tpu.memory_space<vmem>>[vector<16xi32>, vector<16xi32>, vector<16xi32>], vector<16xf32>,
      tpu.vector_store_idx %arg7[%add3A_249, %broadcast_in_dim3A_239], %gather3A_250 : memref<64x512xf32, #tpu.memory_space<vmem>>[vector<16xi32>, vector<16xi32>], vector<16xf32>,
      %add3A_251 = arith.constant 48 : i32
      %add3A_252 = vector.broadcast %add3A_251 : i32 to vector<16xi32>
      %add3A_253 = arith.addi %add3A_252, %iota3A : vector<16xi32>
      %gather3A_254 = tpu.vector_load_idx %arg6[%broadcast_in_dim3A_234, %add3A_253, %broadcast_in_dim3A] : memref<8x64x128xf32, #tpu.memory_space<vmem>>[vector<16xi32>, vector<16xi32>, vector<16xi32>], vector<16xf32>,
      tpu.vector_store_idx %arg7[%add3A_253, %broadcast_in_dim3A_239], %gather3A_254 : memref<64x512xf32, #tpu.memory_space<vmem>>[vector<16xi32>, vector<16xi32>], vector<16xf32>,
      %slice3A_255 = vector.extract_strided_slice %get3A_14 {offsets = [1], sizes = [1], strides = [1]} : vector<16xi32> to vector<1xi32>
      %squeeze3A_256 = vector.extract %slice3A_255[0] : i32 from vector<1xi32>
      %and3A_257 = arith.constant 127 : i32
      %and3A_258 = arith.andi %squeeze3A_256, %and3A_257 : i32
      %broadcast_in_dim3A_259 = vector.broadcast %and3A_258 : i32 to vector<16xi32>
      %broadcast_in_dim3A_260 = arith.constant 1 : i32
      %broadcast_in_dim3A_261 = vector.broadcast %broadcast_in_dim3A_260 : i32 to vector<16xi32>
      %mul3A_262 = arith.constant 16 : i32
      %mul3A_263 = arith.muli %add3A_11, %mul3A_262 : i32
      %add3A_264 = arith.constant 1 : i32
      %add3A_265 = arith.addi %mul3A_263, %add3A_264 : i32
      %broadcast_in_dim3A_266 = vector.broadcast %add3A_265 : i32 to vector<16xi32>
      %add3A_267 = arith.constant 0 : i32
      %add3A_268 = vector.broadcast %add3A_267 : i32 to vector<16xi32>
      %add3A_269 = arith.addi %add3A_268, %iota3A : vector<16xi32>
      %gather3A_270 = tpu.vector_load_idx %arg6[%broadcast_in_dim3A_261, %add3A_269, %broadcast_in_dim3A_259] : memref<8x64x128xf32, #tpu.memory_space<vmem>>[vector<16xi32>, vector<16xi32>, vector<16xi32>], vector<16xf32>,
      tpu.vector_store_idx %arg7[%add3A_269, %broadcast_in_dim3A_266], %gather3A_270 : memref<64x512xf32, #tpu.memory_space<vmem>>[vector<16xi32>, vector<16xi32>], vector<16xf32>,
      %add3A_271 = arith.constant 16 : i32
      %add3A_272 = vector.broadcast %add3A_271 : i32 to vector<16xi32>
      %add3A_273 = arith.addi %add3A_272, %iota3A : vector<16xi32>
      %gather3A_274 = tpu.vector_load_idx %arg6[%broadcast_in_dim3A_261, %add3A_273, %broadcast_in_dim3A_259] : memref<8x64x128xf32, #tpu.memory_space<vmem>>[vector<16xi32>, vector<16xi32>, vector<16xi32>], vector<16xf32>,
      tpu.vector_store_idx %arg7[%add3A_273, %broadcast_in_dim3A_266], %gather3A_274 : memref<64x512xf32, #tpu.memory_space<vmem>>[vector<16xi32>, vector<16xi32>], vector<16xf32>,
      %add3A_275 = arith.constant 32 : i32
      %add3A_276 = vector.broadcast %add3A_275 : i32 to vector<16xi32>
      %add3A_277 = arith.addi %add3A_276, %iota3A : vector<16xi32>
      %gather3A_278 = tpu.vector_load_idx %arg6[%broadcast_in_dim3A_261, %add3A_277, %broadcast_in_dim3A_259] : memref<8x64x128xf32, #tpu.memory_space<vmem>>[vector<16xi32>, vector<16xi32>, vector<16xi32>], vector<16xf32>,
      tpu.vector_store_idx %arg7[%add3A_277, %broadcast_in_dim3A_266], %gather3A_278 : memref<64x512xf32, #tpu.memory_space<vmem>>[vector<16xi32>, vector<16xi32>], vector<16xf32>,
      %add3A_279 = arith.constant 48 : i32
      %add3A_280 = vector.broadcast %add3A_279 : i32 to vector<16xi32>
      %add3A_281 = arith.addi %add3A_280, %iota3A : vector<16xi32>
      %gather3A_282 = tpu.vector_load_idx %arg6[%broadcast_in_dim3A_261, %add3A_281, %broadcast_in_dim3A_259] : memref<8x64x128xf32, #tpu.memory_space<vmem>>[vector<16xi32>, vector<16xi32>, vector<16xi32>], vector<16xf32>,
      tpu.vector_store_idx %arg7[%add3A_281, %broadcast_in_dim3A_266], %gather3A_282 : memref<64x512xf32, #tpu.memory_space<vmem>>[vector<16xi32>, vector<16xi32>], vector<16xf32>,
      %slice3A_283 = vector.extract_strided_slice %get3A_14 {offsets = [2], sizes = [1], strides = [1]} : vector<16xi32> to vector<1xi32>
      %squeeze3A_284 = vector.extract %slice3A_283[0] : i32 from vector<1xi32>
      %and3A_285 = arith.constant 127 : i32
      %and3A_286 = arith.andi %squeeze3A_284, %and3A_285 : i32
      %broadcast_in_dim3A_287 = vector.broadcast %and3A_286 : i32 to vector<16xi32>
      %broadcast_in_dim3A_288 = arith.constant 2 : i32
      %broadcast_in_dim3A_289 = vector.broadcast %broadcast_in_dim3A_288 : i32 to vector<16xi32>
      %mul3A_290 = arith.constant 16 : i32
      %mul3A_291 = arith.muli %add3A_11, %mul3A_290 : i32
      %add3A_292 = arith.constant 2 : i32
      %add3A_293 = arith.addi %mul3A_291, %add3A_292 : i32
      %broadcast_in_dim3A_294 = vector.broadcast %add3A_293 : i32 to vector<16xi32>
      %add3A_295 = arith.constant 0 : i32
      %add3A_296 = vector.broadcast %add3A_295 : i32 to vector<16xi32>
      %add3A_297 = arith.addi %add3A_296, %iota3A : vector<16xi32>
      %gather3A_298 = tpu.vector_load_idx %arg6[%broadcast_in_dim3A_289, %add3A_297, %broadcast_in_dim3A_287] : memref<8x64x128xf32, #tpu.memory_space<vmem>>[vector<16xi32>, vector<16xi32>, vector<16xi32>], vector<16xf32>,
      tpu.vector_store_idx %arg7[%add3A_297, %broadcast_in_dim3A_294], %gather3A_298 : memref<64x512xf32, #tpu.memory_space<vmem>>[vector<16xi32>, vector<16xi32>], vector<16xf32>,
      %add3A_299 = arith.constant 16 : i32
      %add3A_300 = vector.broadcast %add3A_299 : i32 to vector<16xi32>
      %add3A_301 = arith.addi %add3A_300, %iota3A : vector<16xi32>
      %gather3A_302 = tpu.vector_load_idx %arg6[%broadcast_in_dim3A_289, %add3A_301, %broadcast_in_dim3A_287] : memref<8x64x128xf32, #tpu.memory_space<vmem>>[vector<16xi32>, vector<16xi32>, vector<16xi32>], vector<16xf32>,
      tpu.vector_store_idx %arg7[%add3A_301, %broadcast_in_dim3A_294], %gather3A_302 : memref<64x512xf32, #tpu.memory_space<vmem>>[vector<16xi32>, vector<16xi32>], vector<16xf32>,
      %add3A_303 = arith.constant 32 : i32
      %add3A_304 = vector.broadcast %add3A_303 : i32 to vector<16xi32>
      %add3A_305 = arith.addi %add3A_304, %iota3A : vector<16xi32>
      %gather3A_306 = tpu.vector_load_idx %arg6[%broadcast_in_dim3A_289, %add3A_305, %broadcast_in_dim3A_287] : memref<8x64x128xf32, #tpu.memory_space<vmem>>[vector<16xi32>, vector<16xi32>, vector<16xi32>], vector<16xf32>,
      tpu.vector_store_idx %arg7[%add3A_305, %broadcast_in_dim3A_294], %gather3A_306 : memref<64x512xf32, #tpu.memory_space<vmem>>[vector<16xi32>, vector<16xi32>], vector<16xf32>,
      %add3A_307 = arith.constant 48 : i32
      %add3A_308 = vector.broadcast %add3A_307 : i32 to vector<16xi32>
      %add3A_309 = arith.addi %add3A_308, %iota3A : vector<16xi32>
      %gather3A_310 = tpu.vector_load_idx %arg6[%broadcast_in_dim3A_289, %add3A_309, %broadcast_in_dim3A_287] : memref<8x64x128xf32, #tpu.memory_space<vmem>>[vector<16xi32>, vector<16xi32>, vector<16xi32>], vector<16xf32>,
      tpu.vector_store_idx %arg7[%add3A_309, %broadcast_in_dim3A_294], %gather3A_310 : memref<64x512xf32, #tpu.memory_space<vmem>>[vector<16xi32>, vector<16xi32>], vector<16xf32>,
      %slice3A_311 = vector.extract_strided_slice %get3A_14 {offsets = [3], sizes = [1], strides = [1]} : vector<16xi32> to vector<1xi32>
      %squeeze3A_312 = vector.extract %slice3A_311[0] : i32 from vector<1xi32>
      %and3A_313 = arith.constant 127 : i32
      %and3A_314 = arith.andi %squeeze3A_312, %and3A_313 : i32
      %broadcast_in_dim3A_315 = vector.broadcast %and3A_314 : i32 to vector<16xi32>
      %broadcast_in_dim3A_316 = arith.constant 3 : i32
      %broadcast_in_dim3A_317 = vector.broadcast %broadcast_in_dim3A_316 : i32 to vector<16xi32>
      %mul3A_318 = arith.constant 16 : i32
      %mul3A_319 = arith.muli %add3A_11, %mul3A_318 : i32
      %add3A_320 = arith.constant 3 : i32
      %add3A_321 = arith.addi %mul3A_319, %add3A_320 : i32
      %broadcast_in_dim3A_322 = vector.broadcast %add3A_321 : i32 to vector<16xi32>
      %add3A_323 = arith.constant 0 : i32
      %add3A_324 = vector.broadcast %add3A_323 : i32 to vector<16xi32>
      %add3A_325 = arith.addi %add3A_324, %iota3A : vector<16xi32>
      %gather3A_326 = tpu.vector_load_idx %arg6[%broadcast_in_dim3A_317, %add3A_325, %broadcast_in_dim3A_315] : memref<8x64x128xf32, #tpu.memory_space<vmem>>[vector<16xi32>, vector<16xi32>, vector<16xi32>], vector<16xf32>,
      tpu.vector_store_idx %arg7[%add3A_325, %broadcast_in_dim3A_322], %gather3A_326 : memref<64x512xf32, #tpu.memory_space<vmem>>[vector<16xi32>, vector<16xi32>], vector<16xf32>,
      %add3A_327 = arith.constant 16 : i32
      %add3A_328 = vector.broadcast %add3A_327 : i32 to vector<16xi32>
      %add3A_329 = arith.addi %add3A_328, %iota3A : vector<16xi32>
      %gather3A_330 = tpu.vector_load_idx %arg6[%broadcast_in_dim3A_317, %add3A_329, %broadcast_in_dim3A_315] : memref<8x64x128xf32, #tpu.memory_space<vmem>>[vector<16xi32>, vector<16xi32>, vector<16xi32>], vector<16xf32>,
      tpu.vector_store_idx %arg7[%add3A_329, %broadcast_in_dim3A_322], %gather3A_330 : memref<64x512xf32, #tpu.memory_space<vmem>>[vector<16xi32>, vector<16xi32>], vector<16xf32>,
      %add3A_331 = arith.constant 32 : i32
      %add3A_332 = vector.broadcast %add3A_331 : i32 to vector<16xi32>
      %add3A_333 = arith.addi %add3A_332, %iota3A : vector<16xi32>
      %gather3A_334 = tpu.vector_load_idx %arg6[%broadcast_in_dim3A_317, %add3A_333, %broadcast_in_dim3A_315] : memref<8x64x128xf32, #tpu.memory_space<vmem>>[vector<16xi32>, vector<16xi32>, vector<16xi32>], vector<16xf32>,
      tpu.vector_store_idx %arg7[%add3A_333, %broadcast_in_dim3A_322], %gather3A_334 : memref<64x512xf32, #tpu.memory_space<vmem>>[vector<16xi32>, vector<16xi32>], vector<16xf32>,
      %add3A_335 = arith.constant 48 : i32
      %add3A_336 = vector.broadcast %add3A_335 : i32 to vector<16xi32>
      %add3A_337 = arith.addi %add3A_336, %iota3A : vector<16xi32>
      %gather3A_338 = tpu.vector_load_idx %arg6[%broadcast_in_dim3A_317, %add3A_337, %broadcast_in_dim3A_315] : memref<8x64x128xf32, #tpu.memory_space<vmem>>[vector<16xi32>, vector<16xi32>, vector<16xi32>], vector<16xf32>,
      tpu.vector_store_idx %arg7[%add3A_337, %broadcast_in_dim3A_322], %gather3A_338 : memref<64x512xf32, #tpu.memory_space<vmem>>[vector<16xi32>, vector<16xi32>], vector<16xf32>,
      %slice3A_339 = vector.extract_strided_slice %get3A_14 {offsets = [8], sizes = [1], strides = [1]} : vector<16xi32> to vector<1xi32>
      %squeeze3A_340 = vector.extract %slice3A_339[0] : i32 from vector<1xi32>
      %shift_right_arithmetic3A_341 = arith.constant 7 : i32
      %shift_right_arithmetic3A_342 = arith.shrsi %squeeze3A_340, %shift_right_arithmetic3A_341 : i32
      %mul3A_343 = arith.constant 128 : i32
      %mul3A_344 = arith.muli %shift_right_arithmetic3A_342, %mul3A_343 : i32
      %multiple_of3A_345 = tpu.assume_multiple %mul3A_344, 128 : i32
      %dma_start3A_346 = arith.constant 0 : i32
      %dma_start3A_347 = arith.constant 0 : i32
      %dma_start3A_348 = arith.constant 0 : i32
      %dma_start3A_349 = tpu.memref_slice %arg6[%dma_start3A_346, %dma_start3A_347, %dma_start3A_348] : memref<8x64x128xf32, #tpu.memory_space<vmem>> -> memref<1x64x128xf32, #tpu.memory_space<vmem>>
      %dma_start3A_350 = tpu.memref_squeeze %dma_start3A_349 : memref<1x64x128xf32, #tpu.memory_space<vmem>> -> memref<64x128xf32, #tpu.memory_space<vmem>>
      %dma_start3A_351 = arith.constant 0 : i32
      %dma_start3A_352 = tpu.memref_slice %arg3[%dma_start3A_351, %multiple_of3A_345] : memref<64x1000000xf32, #tpu.memory_space<hbm>> -> memref<64x128xf32, #tpu.memory_space<hbm>>
      %dma_start3A_353 = arith.constant 0 : i32
      %dma_start3A_354 = arith.constant 0 : i32
      %dma_start3A_355 = tpu.memref_slice %arg6[%dma_start3A_346, %dma_start3A_353, %dma_start3A_354] : memref<8x64x128xf32, #tpu.memory_space<vmem>> -> memref<1x64x128xf32, #tpu.memory_space<vmem>>
      %dma_start3A_356 = tpu.memref_squeeze %dma_start3A_355 : memref<1x64x128xf32, #tpu.memory_space<vmem>> -> memref<64x128xf32, #tpu.memory_space<vmem>>
      %dma_start3A_357 = arith.constant 0 : i32
      %dma_start3A_358 = tpu.memref_slice %arg3[%dma_start3A_357, %multiple_of3A_345] : memref<64x1000000xf32, #tpu.memory_space<hbm>> -> memref<64x128xf32, #tpu.memory_space<hbm>>
      tpu.enqueue_dma source(%dma_start3A_358 : memref<64x128xf32, #tpu.memory_space<hbm>>) target(%dma_start3A_356 : memref<64x128xf32, #tpu.memory_space<vmem>>) target_semaphore(%arg8 : memref<!tpu.dma_semaphore, #tpu.memory_space<semaphore_mem>>)
      %slice3A_359 = vector.extract_strided_slice %get3A_14 {offsets = [9], sizes = [1], strides = [1]} : vector<16xi32> to vector<1xi32>
      %squeeze3A_360 = vector.extract %slice3A_359[0] : i32 from vector<1xi32>
      %shift_right_arithmetic3A_361 = arith.constant 7 : i32
      %shift_right_arithmetic3A_362 = arith.shrsi %squeeze3A_360, %shift_right_arithmetic3A_361 : i32
      %mul3A_363 = arith.constant 128 : i32
      %mul3A_364 = arith.muli %shift_right_arithmetic3A_362, %mul3A_363 : i32
      %multiple_of3A_365 = tpu.assume_multiple %mul3A_364, 128 : i32
      %dma_start3A_366 = arith.constant 1 : i32
      %dma_start3A_367 = arith.constant 0 : i32
      %dma_start3A_368 = arith.constant 0 : i32
      %dma_start3A_369 = tpu.memref_slice %arg6[%dma_start3A_366, %dma_start3A_367, %dma_start3A_368] : memref<8x64x128xf32, #tpu.memory_space<vmem>> -> memref<1x64x128xf32, #tpu.memory_space<vmem>>
      %dma_start3A_370 = tpu.memref_squeeze %dma_start3A_369 : memref<1x64x128xf32, #tpu.memory_space<vmem>> -> memref<64x128xf32, #tpu.memory_space<vmem>>
      %dma_start3A_371 = arith.constant 0 : i32
      %dma_start3A_372 = tpu.memref_slice %arg3[%dma_start3A_371, %multiple_of3A_365] : memref<64x1000000xf32, #tpu.memory_space<hbm>> -> memref<64x128xf32, #tpu.memory_space<hbm>>
      %dma_start3A_373 = arith.constant 0 : i32
      %dma_start3A_374 = arith.constant 0 : i32
      %dma_start3A_375 = tpu.memref_slice %arg6[%dma_start3A_366, %dma_start3A_373, %dma_start3A_374] : memref<8x64x128xf32, #tpu.memory_space<vmem>> -> memref<1x64x128xf32, #tpu.memory_space<vmem>>
      %dma_start3A_376 = tpu.memref_squeeze %dma_start3A_375 : memref<1x64x128xf32, #tpu.memory_space<vmem>> -> memref<64x128xf32, #tpu.memory_space<vmem>>
      %dma_start3A_377 = arith.constant 0 : i32
      %dma_start3A_378 = tpu.memref_slice %arg3[%dma_start3A_377, %multiple_of3A_365] : memref<64x1000000xf32, #tpu.memory_space<hbm>> -> memref<64x128xf32, #tpu.memory_space<hbm>>
      tpu.enqueue_dma source(%dma_start3A_378 : memref<64x128xf32, #tpu.memory_space<hbm>>) target(%dma_start3A_376 : memref<64x128xf32, #tpu.memory_space<vmem>>) target_semaphore(%arg8 : memref<!tpu.dma_semaphore, #tpu.memory_space<semaphore_mem>>)
      %slice3A_379 = vector.extract_strided_slice %get3A_14 {offsets = [10], sizes = [1], strides = [1]} : vector<16xi32> to vector<1xi32>
      %squeeze3A_380 = vector.extract %slice3A_379[0] : i32 from vector<1xi32>
      %shift_right_arithmetic3A_381 = arith.constant 7 : i32
      %shift_right_arithmetic3A_382 = arith.shrsi %squeeze3A_380, %shift_right_arithmetic3A_381 : i32
      %mul3A_383 = arith.constant 128 : i32
      %mul3A_384 = arith.muli %shift_right_arithmetic3A_382, %mul3A_383 : i32
      %multiple_of3A_385 = tpu.assume_multiple %mul3A_384, 128 : i32
      %dma_start3A_386 = arith.constant 2 : i32
      %dma_start3A_387 = arith.constant 0 : i32
      %dma_start3A_388 = arith.constant 0 : i32
      %dma_start3A_389 = tpu.memref_slice %arg6[%dma_start3A_386, %dma_start3A_387, %dma_start3A_388] : memref<8x64x128xf32, #tpu.memory_space<vmem>> -> memref<1x64x128xf32, #tpu.memory_space<vmem>>
      %dma_start3A_390 = tpu.memref_squeeze %dma_start3A_389 : memref<1x64x128xf32, #tpu.memory_space<vmem>> -> memref<64x128xf32, #tpu.memory_space<vmem>>
      %dma_start3A_391 = arith.constant 0 : i32
      %dma_start3A_392 = tpu.memref_slice %arg3[%dma_start3A_391, %multiple_of3A_385] : memref<64x1000000xf32, #tpu.memory_space<hbm>> -> memref<64x128xf32, #tpu.memory_space<hbm>>
      %dma_start3A_393 = arith.constant 0 : i32
      %dma_start3A_394 = arith.constant 0 : i32
      %dma_start3A_395 = tpu.memref_slice %arg6[%dma_start3A_386, %dma_start3A_393, %dma_start3A_394] : memref<8x64x128xf32, #tpu.memory_space<vmem>> -> memref<1x64x128xf32, #tpu.memory_space<vmem>>
      %dma_start3A_396 = tpu.memref_squeeze %dma_start3A_395 : memref<1x64x128xf32, #tpu.memory_space<vmem>> -> memref<64x128xf32, #tpu.memory_space<vmem>>
      %dma_start3A_397 = arith.constant 0 : i32
      %dma_start3A_398 = tpu.memref_slice %arg3[%dma_start3A_397, %multiple_of3A_385] : memref<64x1000000xf32, #tpu.memory_space<hbm>> -> memref<64x128xf32, #tpu.memory_space<hbm>>
      tpu.enqueue_dma source(%dma_start3A_398 : memref<64x128xf32, #tpu.memory_space<hbm>>) target(%dma_start3A_396 : memref<64x128xf32, #tpu.memory_space<vmem>>) target_semaphore(%arg8 : memref<!tpu.dma_semaphore, #tpu.memory_space<semaphore_mem>>)
      %slice3A_399 = vector.extract_strided_slice %get3A_14 {offsets = [11], sizes = [1], strides = [1]} : vector<16xi32> to vector<1xi32>
      %squeeze3A_400 = vector.extract %slice3A_399[0] : i32 from vector<1xi32>
      %shift_right_arithmetic3A_401 = arith.constant 7 : i32
      %shift_right_arithmetic3A_402 = arith.shrsi %squeeze3A_400, %shift_right_arithmetic3A_401 : i32
      %mul3A_403 = arith.constant 128 : i32
      %mul3A_404 = arith.muli %shift_right_arithmetic3A_402, %mul3A_403 : i32
      %multiple_of3A_405 = tpu.assume_multiple %mul3A_404, 128 : i32
      %dma_start3A_406 = arith.constant 3 : i32
      %dma_start3A_407 = arith.constant 0 : i32
      %dma_start3A_408 = arith.constant 0 : i32
      %dma_start3A_409 = tpu.memref_slice %arg6[%dma_start3A_406, %dma_start3A_407, %dma_start3A_408] : memref<8x64x128xf32, #tpu.memory_space<vmem>> -> memref<1x64x128xf32, #tpu.memory_space<vmem>>
      %dma_start3A_410 = tpu.memref_squeeze %dma_start3A_409 : memref<1x64x128xf32, #tpu.memory_space<vmem>> -> memref<64x128xf32, #tpu.memory_space<vmem>>
      %dma_start3A_411 = arith.constant 0 : i32
      %dma_start3A_412 = tpu.memref_slice %arg3[%dma_start3A_411, %multiple_of3A_405] : memref<64x1000000xf32, #tpu.memory_space<hbm>> -> memref<64x128xf32, #tpu.memory_space<hbm>>
      %dma_start3A_413 = arith.constant 0 : i32
      %dma_start3A_414 = arith.constant 0 : i32
      %dma_start3A_415 = tpu.memref_slice %arg6[%dma_start3A_406, %dma_start3A_413, %dma_start3A_414] : memref<8x64x128xf32, #tpu.memory_space<vmem>> -> memref<1x64x128xf32, #tpu.memory_space<vmem>>
      %dma_start3A_416 = tpu.memref_squeeze %dma_start3A_415 : memref<1x64x128xf32, #tpu.memory_space<vmem>> -> memref<64x128xf32, #tpu.memory_space<vmem>>
      %dma_start3A_417 = arith.constant 0 : i32
      %dma_start3A_418 = tpu.memref_slice %arg3[%dma_start3A_417, %multiple_of3A_405] : memref<64x1000000xf32, #tpu.memory_space<hbm>> -> memref<64x128xf32, #tpu.memory_space<hbm>>
      tpu.enqueue_dma source(%dma_start3A_418 : memref<64x128xf32, #tpu.memory_space<hbm>>) target(%dma_start3A_416 : memref<64x128xf32, #tpu.memory_space<vmem>>) target_semaphore(%arg8 : memref<!tpu.dma_semaphore, #tpu.memory_space<semaphore_mem>>)
      %dma_wait3A_419 = arith.constant 4 : i32
      %dma_wait3A_420 = arith.constant 0 : i32
      %dma_wait3A_421 = arith.constant 0 : i32
      %dma_wait3A_422 = tpu.memref_slice %arg6[%dma_wait3A_419, %dma_wait3A_420, %dma_wait3A_421] : memref<8x64x128xf32, #tpu.memory_space<vmem>> -> memref<1x64x128xf32, #tpu.memory_space<vmem>>
      %dma_wait3A_423 = tpu.memref_squeeze %dma_wait3A_422 : memref<1x64x128xf32, #tpu.memory_space<vmem>> -> memref<64x128xf32, #tpu.memory_space<vmem>>
      %dma_wait3A_424 = arith.constant 0 : i32
      %dma_wait3A_425 = arith.constant 0 : i32
      %dma_wait3A_426 = tpu.memref_slice %arg3[%dma_wait3A_424, %dma_wait3A_425] : memref<64x1000000xf32, #tpu.memory_space<hbm>> -> memref<64x128xf32, #tpu.memory_space<hbm>>
      %dma_wait3A_427 = arith.constant 0 : i32
      %dma_wait3A_428 = arith.constant 0 : i32
      %dma_wait3A_429 = tpu.memref_slice %arg6[%dma_wait3A_419, %dma_wait3A_427, %dma_wait3A_428] : memref<8x64x128xf32, #tpu.memory_space<vmem>> -> memref<1x64x128xf32, #tpu.memory_space<vmem>>
      %dma_wait3A_430 = tpu.memref_squeeze %dma_wait3A_429 : memref<1x64x128xf32, #tpu.memory_space<vmem>> -> memref<64x128xf32, #tpu.memory_space<vmem>>
      %dma_wait3A_431 = arith.constant 0 : i32
      %dma_wait3A_432 = arith.constant 0 : i32
      %dma_wait3A_433 = tpu.memref_slice %arg3[%dma_wait3A_431, %dma_wait3A_432] : memref<64x1000000xf32, #tpu.memory_space<hbm>> -> memref<64x128xf32, #tpu.memory_space<hbm>>
      tpu.wait_dma2 semaphore(%arg9 : memref<!tpu.dma_semaphore, #tpu.memory_space<semaphore_mem>>) src(%dma_wait3A_433 : memref<64x128xf32, #tpu.memory_space<hbm>>) dst(%dma_wait3A_430 : memref<64x128xf32, #tpu.memory_space<vmem>>)
      %dma_wait3A_434 = arith.constant 5 : i32
      %dma_wait3A_435 = arith.constant 0 : i32
      %dma_wait3A_436 = arith.constant 0 : i32
      %dma_wait3A_437 = tpu.memref_slice %arg6[%dma_wait3A_434, %dma_wait3A_435, %dma_wait3A_436] : memref<8x64x128xf32, #tpu.memory_space<vmem>> -> memref<1x64x128xf32, #tpu.memory_space<vmem>>
      %dma_wait3A_438 = tpu.memref_squeeze %dma_wait3A_437 : memref<1x64x128xf32, #tpu.memory_space<vmem>> -> memref<64x128xf32, #tpu.memory_space<vmem>>
      %dma_wait3A_439 = arith.constant 0 : i32
      %dma_wait3A_440 = arith.constant 0 : i32
      %dma_wait3A_441 = tpu.memref_slice %arg3[%dma_wait3A_439, %dma_wait3A_440] : memref<64x1000000xf32, #tpu.memory_space<hbm>> -> memref<64x128xf32, #tpu.memory_space<hbm>>
      %dma_wait3A_442 = arith.constant 0 : i32
      %dma_wait3A_443 = arith.constant 0 : i32
      %dma_wait3A_444 = tpu.memref_slice %arg6[%dma_wait3A_434, %dma_wait3A_442, %dma_wait3A_443] : memref<8x64x128xf32, #tpu.memory_space<vmem>> -> memref<1x64x128xf32, #tpu.memory_space<vmem>>
      %dma_wait3A_445 = tpu.memref_squeeze %dma_wait3A_444 : memref<1x64x128xf32, #tpu.memory_space<vmem>> -> memref<64x128xf32, #tpu.memory_space<vmem>>
      %dma_wait3A_446 = arith.constant 0 : i32
      %dma_wait3A_447 = arith.constant 0 : i32
      %dma_wait3A_448 = tpu.memref_slice %arg3[%dma_wait3A_446, %dma_wait3A_447] : memref<64x1000000xf32, #tpu.memory_space<hbm>> -> memref<64x128xf32, #tpu.memory_space<hbm>>
      tpu.wait_dma2 semaphore(%arg9 : memref<!tpu.dma_semaphore, #tpu.memory_space<semaphore_mem>>) src(%dma_wait3A_448 : memref<64x128xf32, #tpu.memory_space<hbm>>) dst(%dma_wait3A_445 : memref<64x128xf32, #tpu.memory_space<vmem>>)
      %dma_wait3A_449 = arith.constant 6 : i32
      %dma_wait3A_450 = arith.constant 0 : i32
      %dma_wait3A_451 = arith.constant 0 : i32
      %dma_wait3A_452 = tpu.memref_slice %arg6[%dma_wait3A_449, %dma_wait3A_450, %dma_wait3A_451] : memref<8x64x128xf32, #tpu.memory_space<vmem>> -> memref<1x64x128xf32, #tpu.memory_space<vmem>>
      %dma_wait3A_453 = tpu.memref_squeeze %dma_wait3A_452 : memref<1x64x128xf32, #tpu.memory_space<vmem>> -> memref<64x128xf32, #tpu.memory_space<vmem>>
      %dma_wait3A_454 = arith.constant 0 : i32
      %dma_wait3A_455 = arith.constant 0 : i32
      %dma_wait3A_456 = tpu.memref_slice %arg3[%dma_wait3A_454, %dma_wait3A_455] : memref<64x1000000xf32, #tpu.memory_space<hbm>> -> memref<64x128xf32, #tpu.memory_space<hbm>>
      %dma_wait3A_457 = arith.constant 0 : i32
      %dma_wait3A_458 = arith.constant 0 : i32
      %dma_wait3A_459 = tpu.memref_slice %arg6[%dma_wait3A_449, %dma_wait3A_457, %dma_wait3A_458] : memref<8x64x128xf32, #tpu.memory_space<vmem>> -> memref<1x64x128xf32, #tpu.memory_space<vmem>>
      %dma_wait3A_460 = tpu.memref_squeeze %dma_wait3A_459 : memref<1x64x128xf32, #tpu.memory_space<vmem>> -> memref<64x128xf32, #tpu.memory_space<vmem>>
      %dma_wait3A_461 = arith.constant 0 : i32
      %dma_wait3A_462 = arith.constant 0 : i32
      %dma_wait3A_463 = tpu.memref_slice %arg3[%dma_wait3A_461, %dma_wait3A_462] : memref<64x1000000xf32, #tpu.memory_space<hbm>> -> memref<64x128xf32, #tpu.memory_space<hbm>>
      tpu.wait_dma2 semaphore(%arg9 : memref<!tpu.dma_semaphore, #tpu.memory_space<semaphore_mem>>) src(%dma_wait3A_463 : memref<64x128xf32, #tpu.memory_space<hbm>>) dst(%dma_wait3A_460 : memref<64x128xf32, #tpu.memory_space<vmem>>)
      %dma_wait3A_464 = arith.constant 7 : i32
      %dma_wait3A_465 = arith.constant 0 : i32
      %dma_wait3A_466 = arith.constant 0 : i32
      %dma_wait3A_467 = tpu.memref_slice %arg6[%dma_wait3A_464, %dma_wait3A_465, %dma_wait3A_466] : memref<8x64x128xf32, #tpu.memory_space<vmem>> -> memref<1x64x128xf32, #tpu.memory_space<vmem>>
      %dma_wait3A_468 = tpu.memref_squeeze %dma_wait3A_467 : memref<1x64x128xf32, #tpu.memory_space<vmem>> -> memref<64x128xf32, #tpu.memory_space<vmem>>
      %dma_wait3A_469 = arith.constant 0 : i32
      %dma_wait3A_470 = arith.constant 0 : i32
      %dma_wait3A_471 = tpu.memref_slice %arg3[%dma_wait3A_469, %dma_wait3A_470] : memref<64x1000000xf32, #tpu.memory_space<hbm>> -> memref<64x128xf32, #tpu.memory_space<hbm>>
      %dma_wait3A_472 = arith.constant 0 : i32
      %dma_wait3A_473 = arith.constant 0 : i32
      %dma_wait3A_474 = tpu.memref_slice %arg6[%dma_wait3A_464, %dma_wait3A_472, %dma_wait3A_473] : memref<8x64x128xf32, #tpu.memory_space<vmem>> -> memref<1x64x128xf32, #tpu.memory_space<vmem>>
      %dma_wait3A_475 = tpu.memref_squeeze %dma_wait3A_474 : memref<1x64x128xf32, #tpu.memory_space<vmem>> -> memref<64x128xf32, #tpu.memory_space<vmem>>
      %dma_wait3A_476 = arith.constant 0 : i32
      %dma_wait3A_477 = arith.constant 0 : i32
      %dma_wait3A_478 = tpu.memref_slice %arg3[%dma_wait3A_476, %dma_wait3A_477] : memref<64x1000000xf32, #tpu.memory_space<hbm>> -> memref<64x128xf32, #tpu.memory_space<hbm>>
      tpu.wait_dma2 semaphore(%arg9 : memref<!tpu.dma_semaphore, #tpu.memory_space<semaphore_mem>>) src(%dma_wait3A_478 : memref<64x128xf32, #tpu.memory_space<hbm>>) dst(%dma_wait3A_475 : memref<64x128xf32, #tpu.memory_space<vmem>>)
      %slice3A_479 = vector.extract_strided_slice %get3A_14 {offsets = [4], sizes = [1], strides = [1]} : vector<16xi32> to vector<1xi32>
      %squeeze3A_480 = vector.extract %slice3A_479[0] : i32 from vector<1xi32>
      %and3A_481 = arith.constant 127 : i32
      %and3A_482 = arith.andi %squeeze3A_480, %and3A_481 : i32
      %broadcast_in_dim3A_483 = vector.broadcast %and3A_482 : i32 to vector<16xi32>
      %broadcast_in_dim3A_484 = arith.constant 4 : i32
      %broadcast_in_dim3A_485 = vector.broadcast %broadcast_in_dim3A_484 : i32 to vector<16xi32>
      %mul3A_486 = arith.constant 16 : i32
      %mul3A_487 = arith.muli %add3A_11, %mul3A_486 : i32
      %add3A_488 = arith.constant 4 : i32
      %add3A_489 = arith.addi %mul3A_487, %add3A_488 : i32
      %broadcast_in_dim3A_490 = vector.broadcast %add3A_489 : i32 to vector<16xi32>
      %add3A_491 = arith.constant 0 : i32
      %add3A_492 = vector.broadcast %add3A_491 : i32 to vector<16xi32>
      %add3A_493 = arith.addi %add3A_492, %iota3A : vector<16xi32>
      %gather3A_494 = tpu.vector_load_idx %arg6[%broadcast_in_dim3A_485, %add3A_493, %broadcast_in_dim3A_483] : memref<8x64x128xf32, #tpu.memory_space<vmem>>[vector<16xi32>, vector<16xi32>, vector<16xi32>], vector<16xf32>,
      tpu.vector_store_idx %arg7[%add3A_493, %broadcast_in_dim3A_490], %gather3A_494 : memref<64x512xf32, #tpu.memory_space<vmem>>[vector<16xi32>, vector<16xi32>], vector<16xf32>,
      %add3A_495 = arith.constant 16 : i32
      %add3A_496 = vector.broadcast %add3A_495 : i32 to vector<16xi32>
      %add3A_497 = arith.addi %add3A_496, %iota3A : vector<16xi32>
      %gather3A_498 = tpu.vector_load_idx %arg6[%broadcast_in_dim3A_485, %add3A_497, %broadcast_in_dim3A_483] : memref<8x64x128xf32, #tpu.memory_space<vmem>>[vector<16xi32>, vector<16xi32>, vector<16xi32>], vector<16xf32>,
      tpu.vector_store_idx %arg7[%add3A_497, %broadcast_in_dim3A_490], %gather3A_498 : memref<64x512xf32, #tpu.memory_space<vmem>>[vector<16xi32>, vector<16xi32>], vector<16xf32>,
      %add3A_499 = arith.constant 32 : i32
      %add3A_500 = vector.broadcast %add3A_499 : i32 to vector<16xi32>
      %add3A_501 = arith.addi %add3A_500, %iota3A : vector<16xi32>
      %gather3A_502 = tpu.vector_load_idx %arg6[%broadcast_in_dim3A_485, %add3A_501, %broadcast_in_dim3A_483] : memref<8x64x128xf32, #tpu.memory_space<vmem>>[vector<16xi32>, vector<16xi32>, vector<16xi32>], vector<16xf32>,
      tpu.vector_store_idx %arg7[%add3A_501, %broadcast_in_dim3A_490], %gather3A_502 : memref<64x512xf32, #tpu.memory_space<vmem>>[vector<16xi32>, vector<16xi32>], vector<16xf32>,
      %add3A_503 = arith.constant 48 : i32
      %add3A_504 = vector.broadcast %add3A_503 : i32 to vector<16xi32>
      %add3A_505 = arith.addi %add3A_504, %iota3A : vector<16xi32>
      %gather3A_506 = tpu.vector_load_idx %arg6[%broadcast_in_dim3A_485, %add3A_505, %broadcast_in_dim3A_483] : memref<8x64x128xf32, #tpu.memory_space<vmem>>[vector<16xi32>, vector<16xi32>, vector<16xi32>], vector<16xf32>,
      tpu.vector_store_idx %arg7[%add3A_505, %broadcast_in_dim3A_490], %gather3A_506 : memref<64x512xf32, #tpu.memory_space<vmem>>[vector<16xi32>, vector<16xi32>], vector<16xf32>,
      %slice3A_507 = vector.extract_strided_slice %get3A_14 {offsets = [5], sizes = [1], strides = [1]} : vector<16xi32> to vector<1xi32>
      %squeeze3A_508 = vector.extract %slice3A_507[0] : i32 from vector<1xi32>
      %and3A_509 = arith.constant 127 : i32
      %and3A_510 = arith.andi %squeeze3A_508, %and3A_509 : i32
      %broadcast_in_dim3A_511 = vector.broadcast %and3A_510 : i32 to vector<16xi32>
      %broadcast_in_dim3A_512 = arith.constant 5 : i32
      %broadcast_in_dim3A_513 = vector.broadcast %broadcast_in_dim3A_512 : i32 to vector<16xi32>
      %mul3A_514 = arith.constant 16 : i32
      %mul3A_515 = arith.muli %add3A_11, %mul3A_514 : i32
      %add3A_516 = arith.constant 5 : i32
      %add3A_517 = arith.addi %mul3A_515, %add3A_516 : i32
      %broadcast_in_dim3A_518 = vector.broadcast %add3A_517 : i32 to vector<16xi32>
      %add3A_519 = arith.constant 0 : i32
      %add3A_520 = vector.broadcast %add3A_519 : i32 to vector<16xi32>
      %add3A_521 = arith.addi %add3A_520, %iota3A : vector<16xi32>
      %gather3A_522 = tpu.vector_load_idx %arg6[%broadcast_in_dim3A_513, %add3A_521, %broadcast_in_dim3A_511] : memref<8x64x128xf32, #tpu.memory_space<vmem>>[vector<16xi32>, vector<16xi32>, vector<16xi32>], vector<16xf32>,
      tpu.vector_store_idx %arg7[%add3A_521, %broadcast_in_dim3A_518], %gather3A_522 : memref<64x512xf32, #tpu.memory_space<vmem>>[vector<16xi32>, vector<16xi32>], vector<16xf32>,
      %add3A_523 = arith.constant 16 : i32
      %add3A_524 = vector.broadcast %add3A_523 : i32 to vector<16xi32>
      %add3A_525 = arith.addi %add3A_524, %iota3A : vector<16xi32>
      %gather3A_526 = tpu.vector_load_idx %arg6[%broadcast_in_dim3A_513, %add3A_525, %broadcast_in_dim3A_511] : memref<8x64x128xf32, #tpu.memory_space<vmem>>[vector<16xi32>, vector<16xi32>, vector<16xi32>], vector<16xf32>,
      tpu.vector_store_idx %arg7[%add3A_525, %broadcast_in_dim3A_518], %gather3A_526 : memref<64x512xf32, #tpu.memory_space<vmem>>[vector<16xi32>, vector<16xi32>], vector<16xf32>,
      %add3A_527 = arith.constant 32 : i32
      %add3A_528 = vector.broadcast %add3A_527 : i32 to vector<16xi32>
      %add3A_529 = arith.addi %add3A_528, %iota3A : vector<16xi32>
      %gather3A_530 = tpu.vector_load_idx %arg6[%broadcast_in_dim3A_513, %add3A_529, %broadcast_in_dim3A_511] : memref<8x64x128xf32, #tpu.memory_space<vmem>>[vector<16xi32>, vector<16xi32>, vector<16xi32>], vector<16xf32>,
      tpu.vector_store_idx %arg7[%add3A_529, %broadcast_in_dim3A_518], %gather3A_530 : memref<64x512xf32, #tpu.memory_space<vmem>>[vector<16xi32>, vector<16xi32>], vector<16xf32>,
      %add3A_531 = arith.constant 48 : i32
      %add3A_532 = vector.broadcast %add3A_531 : i32 to vector<16xi32>
      %add3A_533 = arith.addi %add3A_532, %iota3A : vector<16xi32>
      %gather3A_534 = tpu.vector_load_idx %arg6[%broadcast_in_dim3A_513, %add3A_533, %broadcast_in_dim3A_511] : memref<8x64x128xf32, #tpu.memory_space<vmem>>[vector<16xi32>, vector<16xi32>, vector<16xi32>], vector<16xf32>,
      tpu.vector_store_idx %arg7[%add3A_533, %broadcast_in_dim3A_518], %gather3A_534 : memref<64x512xf32, #tpu.memory_space<vmem>>[vector<16xi32>, vector<16xi32>], vector<16xf32>,
      %slice3A_535 = vector.extract_strided_slice %get3A_14 {offsets = [6], sizes = [1], strides = [1]} : vector<16xi32> to vector<1xi32>
      %squeeze3A_536 = vector.extract %slice3A_535[0] : i32 from vector<1xi32>
      %and3A_537 = arith.constant 127 : i32
      %and3A_538 = arith.andi %squeeze3A_536, %and3A_537 : i32
      %broadcast_in_dim3A_539 = vector.broadcast %and3A_538 : i32 to vector<16xi32>
      %broadcast_in_dim3A_540 = arith.constant 6 : i32
      %broadcast_in_dim3A_541 = vector.broadcast %broadcast_in_dim3A_540 : i32 to vector<16xi32>
      %mul3A_542 = arith.constant 16 : i32
      %mul3A_543 = arith.muli %add3A_11, %mul3A_542 : i32
      %add3A_544 = arith.constant 6 : i32
      %add3A_545 = arith.addi %mul3A_543, %add3A_544 : i32
      %broadcast_in_dim3A_546 = vector.broadcast %add3A_545 : i32 to vector<16xi32>
      %add3A_547 = arith.constant 0 : i32
      %add3A_548 = vector.broadcast %add3A_547 : i32 to vector<16xi32>
      %add3A_549 = arith.addi %add3A_548, %iota3A : vector<16xi32>
      %gather3A_550 = tpu.vector_load_idx %arg6[%broadcast_in_dim3A_541, %add3A_549, %broadcast_in_dim3A_539] : memref<8x64x128xf32, #tpu.memory_space<vmem>>[vector<16xi32>, vector<16xi32>, vector<16xi32>], vector<16xf32>,
      tpu.vector_store_idx %arg7[%add3A_549, %broadcast_in_dim3A_546], %gather3A_550 : memref<64x512xf32, #tpu.memory_space<vmem>>[vector<16xi32>, vector<16xi32>], vector<16xf32>,
      %add3A_551 = arith.constant 16 : i32
      %add3A_552 = vector.broadcast %add3A_551 : i32 to vector<16xi32>
      %add3A_553 = arith.addi %add3A_552, %iota3A : vector<16xi32>
      %gather3A_554 = tpu.vector_load_idx %arg6[%broadcast_in_dim3A_541, %add3A_553, %broadcast_in_dim3A_539] : memref<8x64x128xf32, #tpu.memory_space<vmem>>[vector<16xi32>, vector<16xi32>, vector<16xi32>], vector<16xf32>,
      tpu.vector_store_idx %arg7[%add3A_553, %broadcast_in_dim3A_546], %gather3A_554 : memref<64x512xf32, #tpu.memory_space<vmem>>[vector<16xi32>, vector<16xi32>], vector<16xf32>,
      %add3A_555 = arith.constant 32 : i32
      %add3A_556 = vector.broadcast %add3A_555 : i32 to vector<16xi32>
      %add3A_557 = arith.addi %add3A_556, %iota3A : vector<16xi32>
      %gather3A_558 = tpu.vector_load_idx %arg6[%broadcast_in_dim3A_541, %add3A_557, %broadcast_in_dim3A_539] : memref<8x64x128xf32, #tpu.memory_space<vmem>>[vector<16xi32>, vector<16xi32>, vector<16xi32>], vector<16xf32>,
      tpu.vector_store_idx %arg7[%add3A_557, %broadcast_in_dim3A_546], %gather3A_558 : memref<64x512xf32, #tpu.memory_space<vmem>>[vector<16xi32>, vector<16xi32>], vector<16xf32>,
      %add3A_559 = arith.constant 48 : i32
      %add3A_560 = vector.broadcast %add3A_559 : i32 to vector<16xi32>
      %add3A_561 = arith.addi %add3A_560, %iota3A : vector<16xi32>
      %gather3A_562 = tpu.vector_load_idx %arg6[%broadcast_in_dim3A_541, %add3A_561, %broadcast_in_dim3A_539] : memref<8x64x128xf32, #tpu.memory_space<vmem>>[vector<16xi32>, vector<16xi32>, vector<16xi32>], vector<16xf32>,
      tpu.vector_store_idx %arg7[%add3A_561, %broadcast_in_dim3A_546], %gather3A_562 : memref<64x512xf32, #tpu.memory_space<vmem>>[vector<16xi32>, vector<16xi32>], vector<16xf32>,
      %slice3A_563 = vector.extract_strided_slice %get3A_14 {offsets = [7], sizes = [1], strides = [1]} : vector<16xi32> to vector<1xi32>
      %squeeze3A_564 = vector.extract %slice3A_563[0] : i32 from vector<1xi32>
      %and3A_565 = arith.constant 127 : i32
      %and3A_566 = arith.andi %squeeze3A_564, %and3A_565 : i32
      %broadcast_in_dim3A_567 = vector.broadcast %and3A_566 : i32 to vector<16xi32>
      %broadcast_in_dim3A_568 = arith.constant 7 : i32
      %broadcast_in_dim3A_569 = vector.broadcast %broadcast_in_dim3A_568 : i32 to vector<16xi32>
      %mul3A_570 = arith.constant 16 : i32
      %mul3A_571 = arith.muli %add3A_11, %mul3A_570 : i32
      %add3A_572 = arith.constant 7 : i32
      %add3A_573 = arith.addi %mul3A_571, %add3A_572 : i32
      %broadcast_in_dim3A_574 = vector.broadcast %add3A_573 : i32 to vector<16xi32>
      %add3A_575 = arith.constant 0 : i32
      %add3A_576 = vector.broadcast %add3A_575 : i32 to vector<16xi32>
      %add3A_577 = arith.addi %add3A_576, %iota3A : vector<16xi32>
      %gather3A_578 = tpu.vector_load_idx %arg6[%broadcast_in_dim3A_569, %add3A_577, %broadcast_in_dim3A_567] : memref<8x64x128xf32, #tpu.memory_space<vmem>>[vector<16xi32>, vector<16xi32>, vector<16xi32>], vector<16xf32>,
      tpu.vector_store_idx %arg7[%add3A_577, %broadcast_in_dim3A_574], %gather3A_578 : memref<64x512xf32, #tpu.memory_space<vmem>>[vector<16xi32>, vector<16xi32>], vector<16xf32>,
      %add3A_579 = arith.constant 16 : i32
      %add3A_580 = vector.broadcast %add3A_579 : i32 to vector<16xi32>
      %add3A_581 = arith.addi %add3A_580, %iota3A : vector<16xi32>
      %gather3A_582 = tpu.vector_load_idx %arg6[%broadcast_in_dim3A_569, %add3A_581, %broadcast_in_dim3A_567] : memref<8x64x128xf32, #tpu.memory_space<vmem>>[vector<16xi32>, vector<16xi32>, vector<16xi32>], vector<16xf32>,
      tpu.vector_store_idx %arg7[%add3A_581, %broadcast_in_dim3A_574], %gather3A_582 : memref<64x512xf32, #tpu.memory_space<vmem>>[vector<16xi32>, vector<16xi32>], vector<16xf32>,
      %add3A_583 = arith.constant 32 : i32
      %add3A_584 = vector.broadcast %add3A_583 : i32 to vector<16xi32>
      %add3A_585 = arith.addi %add3A_584, %iota3A : vector<16xi32>
      %gather3A_586 = tpu.vector_load_idx %arg6[%broadcast_in_dim3A_569, %add3A_585, %broadcast_in_dim3A_567] : memref<8x64x128xf32, #tpu.memory_space<vmem>>[vector<16xi32>, vector<16xi32>, vector<16xi32>], vector<16xf32>,
      tpu.vector_store_idx %arg7[%add3A_585, %broadcast_in_dim3A_574], %gather3A_586 : memref<64x512xf32, #tpu.memory_space<vmem>>[vector<16xi32>, vector<16xi32>], vector<16xf32>,
      %add3A_587 = arith.constant 48 : i32
      %add3A_588 = vector.broadcast %add3A_587 : i32 to vector<16xi32>
      %add3A_589 = arith.addi %add3A_588, %iota3A : vector<16xi32>
      %gather3A_590 = tpu.vector_load_idx %arg6[%broadcast_in_dim3A_569, %add3A_589, %broadcast_in_dim3A_567] : memref<8x64x128xf32, #tpu.memory_space<vmem>>[vector<16xi32>, vector<16xi32>, vector<16xi32>], vector<16xf32>,
      tpu.vector_store_idx %arg7[%add3A_589, %broadcast_in_dim3A_574], %gather3A_590 : memref<64x512xf32, #tpu.memory_space<vmem>>[vector<16xi32>, vector<16xi32>], vector<16xf32>,
      %slice3A_591 = vector.extract_strided_slice %get3A_14 {offsets = [12], sizes = [1], strides = [1]} : vector<16xi32> to vector<1xi32>
      %squeeze3A_592 = vector.extract %slice3A_591[0] : i32 from vector<1xi32>
      %shift_right_arithmetic3A_593 = arith.constant 7 : i32
      %shift_right_arithmetic3A_594 = arith.shrsi %squeeze3A_592, %shift_right_arithmetic3A_593 : i32
      %mul3A_595 = arith.constant 128 : i32
      %mul3A_596 = arith.muli %shift_right_arithmetic3A_594, %mul3A_595 : i32
      %multiple_of3A_597 = tpu.assume_multiple %mul3A_596, 128 : i32
      %dma_start3A_598 = arith.constant 4 : i32
      %dma_start3A_599 = arith.constant 0 : i32
      %dma_start3A_600 = arith.constant 0 : i32
      %dma_start3A_601 = tpu.memref_slice %arg6[%dma_start3A_598, %dma_start3A_599, %dma_start3A_600] : memref<8x64x128xf32, #tpu.memory_space<vmem>> -> memref<1x64x128xf32, #tpu.memory_space<vmem>>
      %dma_start3A_602 = tpu.memref_squeeze %dma_start3A_601 : memref<1x64x128xf32, #tpu.memory_space<vmem>> -> memref<64x128xf32, #tpu.memory_space<vmem>>
      %dma_start3A_603 = arith.constant 0 : i32
      %dma_start3A_604 = tpu.memref_slice %arg3[%dma_start3A_603, %multiple_of3A_597] : memref<64x1000000xf32, #tpu.memory_space<hbm>> -> memref<64x128xf32, #tpu.memory_space<hbm>>
      %dma_start3A_605 = arith.constant 0 : i32
      %dma_start3A_606 = arith.constant 0 : i32
      %dma_start3A_607 = tpu.memref_slice %arg6[%dma_start3A_598, %dma_start3A_605, %dma_start3A_606] : memref<8x64x128xf32, #tpu.memory_space<vmem>> -> memref<1x64x128xf32, #tpu.memory_space<vmem>>
      %dma_start3A_608 = tpu.memref_squeeze %dma_start3A_607 : memref<1x64x128xf32, #tpu.memory_space<vmem>> -> memref<64x128xf32, #tpu.memory_space<vmem>>
      %dma_start3A_609 = arith.constant 0 : i32
      %dma_start3A_610 = tpu.memref_slice %arg3[%dma_start3A_609, %multiple_of3A_597] : memref<64x1000000xf32, #tpu.memory_space<hbm>> -> memref<64x128xf32, #tpu.memory_space<hbm>>
      tpu.enqueue_dma source(%dma_start3A_610 : memref<64x128xf32, #tpu.memory_space<hbm>>) target(%dma_start3A_608 : memref<64x128xf32, #tpu.memory_space<vmem>>) target_semaphore(%arg9 : memref<!tpu.dma_semaphore, #tpu.memory_space<semaphore_mem>>)
      %slice3A_611 = vector.extract_strided_slice %get3A_14 {offsets = [13], sizes = [1], strides = [1]} : vector<16xi32> to vector<1xi32>
      %squeeze3A_612 = vector.extract %slice3A_611[0] : i32 from vector<1xi32>
      %shift_right_arithmetic3A_613 = arith.constant 7 : i32
      %shift_right_arithmetic3A_614 = arith.shrsi %squeeze3A_612, %shift_right_arithmetic3A_613 : i32
      %mul3A_615 = arith.constant 128 : i32
      %mul3A_616 = arith.muli %shift_right_arithmetic3A_614, %mul3A_615 : i32
      %multiple_of3A_617 = tpu.assume_multiple %mul3A_616, 128 : i32
      %dma_start3A_618 = arith.constant 5 : i32
      %dma_start3A_619 = arith.constant 0 : i32
      %dma_start3A_620 = arith.constant 0 : i32
      %dma_start3A_621 = tpu.memref_slice %arg6[%dma_start3A_618, %dma_start3A_619, %dma_start3A_620] : memref<8x64x128xf32, #tpu.memory_space<vmem>> -> memref<1x64x128xf32, #tpu.memory_space<vmem>>
      %dma_start3A_622 = tpu.memref_squeeze %dma_start3A_621 : memref<1x64x128xf32, #tpu.memory_space<vmem>> -> memref<64x128xf32, #tpu.memory_space<vmem>>
      %dma_start3A_623 = arith.constant 0 : i32
      %dma_start3A_624 = tpu.memref_slice %arg3[%dma_start3A_623, %multiple_of3A_617] : memref<64x1000000xf32, #tpu.memory_space<hbm>> -> memref<64x128xf32, #tpu.memory_space<hbm>>
      %dma_start3A_625 = arith.constant 0 : i32
      %dma_start3A_626 = arith.constant 0 : i32
      %dma_start3A_627 = tpu.memref_slice %arg6[%dma_start3A_618, %dma_start3A_625, %dma_start3A_626] : memref<8x64x128xf32, #tpu.memory_space<vmem>> -> memref<1x64x128xf32, #tpu.memory_space<vmem>>
      %dma_start3A_628 = tpu.memref_squeeze %dma_start3A_627 : memref<1x64x128xf32, #tpu.memory_space<vmem>> -> memref<64x128xf32, #tpu.memory_space<vmem>>
      %dma_start3A_629 = arith.constant 0 : i32
      %dma_start3A_630 = tpu.memref_slice %arg3[%dma_start3A_629, %multiple_of3A_617] : memref<64x1000000xf32, #tpu.memory_space<hbm>> -> memref<64x128xf32, #tpu.memory_space<hbm>>
      tpu.enqueue_dma source(%dma_start3A_630 : memref<64x128xf32, #tpu.memory_space<hbm>>) target(%dma_start3A_628 : memref<64x128xf32, #tpu.memory_space<vmem>>) target_semaphore(%arg9 : memref<!tpu.dma_semaphore, #tpu.memory_space<semaphore_mem>>)
      %slice3A_631 = vector.extract_strided_slice %get3A_14 {offsets = [14], sizes = [1], strides = [1]} : vector<16xi32> to vector<1xi32>
      %squeeze3A_632 = vector.extract %slice3A_631[0] : i32 from vector<1xi32>
      %shift_right_arithmetic3A_633 = arith.constant 7 : i32
      %shift_right_arithmetic3A_634 = arith.shrsi %squeeze3A_632, %shift_right_arithmetic3A_633 : i32
      %mul3A_635 = arith.constant 128 : i32
      %mul3A_636 = arith.muli %shift_right_arithmetic3A_634, %mul3A_635 : i32
      %multiple_of3A_637 = tpu.assume_multiple %mul3A_636, 128 : i32
      %dma_start3A_638 = arith.constant 6 : i32
      %dma_start3A_639 = arith.constant 0 : i32
      %dma_start3A_640 = arith.constant 0 : i32
      %dma_start3A_641 = tpu.memref_slice %arg6[%dma_start3A_638, %dma_start3A_639, %dma_start3A_640] : memref<8x64x128xf32, #tpu.memory_space<vmem>> -> memref<1x64x128xf32, #tpu.memory_space<vmem>>
      %dma_start3A_642 = tpu.memref_squeeze %dma_start3A_641 : memref<1x64x128xf32, #tpu.memory_space<vmem>> -> memref<64x128xf32, #tpu.memory_space<vmem>>
      %dma_start3A_643 = arith.constant 0 : i32
      %dma_start3A_644 = tpu.memref_slice %arg3[%dma_start3A_643, %multiple_of3A_637] : memref<64x1000000xf32, #tpu.memory_space<hbm>> -> memref<64x128xf32, #tpu.memory_space<hbm>>
      %dma_start3A_645 = arith.constant 0 : i32
      %dma_start3A_646 = arith.constant 0 : i32
      %dma_start3A_647 = tpu.memref_slice %arg6[%dma_start3A_638, %dma_start3A_645, %dma_start3A_646] : memref<8x64x128xf32, #tpu.memory_space<vmem>> -> memref<1x64x128xf32, #tpu.memory_space<vmem>>
      %dma_start3A_648 = tpu.memref_squeeze %dma_start3A_647 : memref<1x64x128xf32, #tpu.memory_space<vmem>> -> memref<64x128xf32, #tpu.memory_space<vmem>>
      %dma_start3A_649 = arith.constant 0 : i32
      %dma_start3A_650 = tpu.memref_slice %arg3[%dma_start3A_649, %multiple_of3A_637] : memref<64x1000000xf32, #tpu.memory_space<hbm>> -> memref<64x128xf32, #tpu.memory_space<hbm>>
      tpu.enqueue_dma source(%dma_start3A_650 : memref<64x128xf32, #tpu.memory_space<hbm>>) target(%dma_start3A_648 : memref<64x128xf32, #tpu.memory_space<vmem>>) target_semaphore(%arg9 : memref<!tpu.dma_semaphore, #tpu.memory_space<semaphore_mem>>)
      %slice3A_651 = vector.extract_strided_slice %get3A_14 {offsets = [15], sizes = [1], strides = [1]} : vector<16xi32> to vector<1xi32>
      %squeeze3A_652 = vector.extract %slice3A_651[0] : i32 from vector<1xi32>
      %shift_right_arithmetic3A_653 = arith.constant 7 : i32
      %shift_right_arithmetic3A_654 = arith.shrsi %squeeze3A_652, %shift_right_arithmetic3A_653 : i32
      %mul3A_655 = arith.constant 128 : i32
      %mul3A_656 = arith.muli %shift_right_arithmetic3A_654, %mul3A_655 : i32
      %multiple_of3A_657 = tpu.assume_multiple %mul3A_656, 128 : i32
      %dma_start3A_658 = arith.constant 7 : i32
      %dma_start3A_659 = arith.constant 0 : i32
      %dma_start3A_660 = arith.constant 0 : i32
      %dma_start3A_661 = tpu.memref_slice %arg6[%dma_start3A_658, %dma_start3A_659, %dma_start3A_660] : memref<8x64x128xf32, #tpu.memory_space<vmem>> -> memref<1x64x128xf32, #tpu.memory_space<vmem>>
      %dma_start3A_662 = tpu.memref_squeeze %dma_start3A_661 : memref<1x64x128xf32, #tpu.memory_space<vmem>> -> memref<64x128xf32, #tpu.memory_space<vmem>>
      %dma_start3A_663 = arith.constant 0 : i32
      %dma_start3A_664 = tpu.memref_slice %arg3[%dma_start3A_663, %multiple_of3A_657] : memref<64x1000000xf32, #tpu.memory_space<hbm>> -> memref<64x128xf32, #tpu.memory_space<hbm>>
      %dma_start3A_665 = arith.constant 0 : i32
      %dma_start3A_666 = arith.constant 0 : i32
      %dma_start3A_667 = tpu.memref_slice %arg6[%dma_start3A_658, %dma_start3A_665, %dma_start3A_666] : memref<8x64x128xf32, #tpu.memory_space<vmem>> -> memref<1x64x128xf32, #tpu.memory_space<vmem>>
      %dma_start3A_668 = tpu.memref_squeeze %dma_start3A_667 : memref<1x64x128xf32, #tpu.memory_space<vmem>> -> memref<64x128xf32, #tpu.memory_space<vmem>>
      %dma_start3A_669 = arith.constant 0 : i32
      %dma_start3A_670 = tpu.memref_slice %arg3[%dma_start3A_669, %multiple_of3A_657] : memref<64x1000000xf32, #tpu.memory_space<hbm>> -> memref<64x128xf32, #tpu.memory_space<hbm>>
      tpu.enqueue_dma source(%dma_start3A_670 : memref<64x128xf32, #tpu.memory_space<hbm>>) target(%dma_start3A_668 : memref<64x128xf32, #tpu.memory_space<vmem>>) target_semaphore(%arg9 : memref<!tpu.dma_semaphore, #tpu.memory_space<semaphore_mem>>)
      %dma_wait3A_671 = arith.constant 0 : i32
      %dma_wait3A_672 = arith.constant 0 : i32
      %dma_wait3A_673 = arith.constant 0 : i32
      %dma_wait3A_674 = tpu.memref_slice %arg6[%dma_wait3A_671, %dma_wait3A_672, %dma_wait3A_673] : memref<8x64x128xf32, #tpu.memory_space<vmem>> -> memref<1x64x128xf32, #tpu.memory_space<vmem>>
      %dma_wait3A_675 = tpu.memref_squeeze %dma_wait3A_674 : memref<1x64x128xf32, #tpu.memory_space<vmem>> -> memref<64x128xf32, #tpu.memory_space<vmem>>
      %dma_wait3A_676 = arith.constant 0 : i32
      %dma_wait3A_677 = arith.constant 0 : i32
      %dma_wait3A_678 = tpu.memref_slice %arg3[%dma_wait3A_676, %dma_wait3A_677] : memref<64x1000000xf32, #tpu.memory_space<hbm>> -> memref<64x128xf32, #tpu.memory_space<hbm>>
      %dma_wait3A_679 = arith.constant 0 : i32
      %dma_wait3A_680 = arith.constant 0 : i32
      %dma_wait3A_681 = tpu.memref_slice %arg6[%dma_wait3A_671, %dma_wait3A_679, %dma_wait3A_680] : memref<8x64x128xf32, #tpu.memory_space<vmem>> -> memref<1x64x128xf32, #tpu.memory_space<vmem>>
      %dma_wait3A_682 = tpu.memref_squeeze %dma_wait3A_681 : memref<1x64x128xf32, #tpu.memory_space<vmem>> -> memref<64x128xf32, #tpu.memory_space<vmem>>
      %dma_wait3A_683 = arith.constant 0 : i32
      %dma_wait3A_684 = arith.constant 0 : i32
      %dma_wait3A_685 = tpu.memref_slice %arg3[%dma_wait3A_683, %dma_wait3A_684] : memref<64x1000000xf32, #tpu.memory_space<hbm>> -> memref<64x128xf32, #tpu.memory_space<hbm>>
      tpu.wait_dma2 semaphore(%arg8 : memref<!tpu.dma_semaphore, #tpu.memory_space<semaphore_mem>>) src(%dma_wait3A_685 : memref<64x128xf32, #tpu.memory_space<hbm>>) dst(%dma_wait3A_682 : memref<64x128xf32, #tpu.memory_space<vmem>>)
      %dma_wait3A_686 = arith.constant 1 : i32
      %dma_wait3A_687 = arith.constant 0 : i32
      %dma_wait3A_688 = arith.constant 0 : i32
      %dma_wait3A_689 = tpu.memref_slice %arg6[%dma_wait3A_686, %dma_wait3A_687, %dma_wait3A_688] : memref<8x64x128xf32, #tpu.memory_space<vmem>> -> memref<1x64x128xf32, #tpu.memory_space<vmem>>
      %dma_wait3A_690 = tpu.memref_squeeze %dma_wait3A_689 : memref<1x64x128xf32, #tpu.memory_space<vmem>> -> memref<64x128xf32, #tpu.memory_space<vmem>>
      %dma_wait3A_691 = arith.constant 0 : i32
      %dma_wait3A_692 = arith.constant 0 : i32
      %dma_wait3A_693 = tpu.memref_slice %arg3[%dma_wait3A_691, %dma_wait3A_692] : memref<64x1000000xf32, #tpu.memory_space<hbm>> -> memref<64x128xf32, #tpu.memory_space<hbm>>
      %dma_wait3A_694 = arith.constant 0 : i32
      %dma_wait3A_695 = arith.constant 0 : i32
      %dma_wait3A_696 = tpu.memref_slice %arg6[%dma_wait3A_686, %dma_wait3A_694, %dma_wait3A_695] : memref<8x64x128xf32, #tpu.memory_space<vmem>> -> memref<1x64x128xf32, #tpu.memory_space<vmem>>
      %dma_wait3A_697 = tpu.memref_squeeze %dma_wait3A_696 : memref<1x64x128xf32, #tpu.memory_space<vmem>> -> memref<64x128xf32, #tpu.memory_space<vmem>>
      %dma_wait3A_698 = arith.constant 0 : i32
      %dma_wait3A_699 = arith.constant 0 : i32
      %dma_wait3A_700 = tpu.memref_slice %arg3[%dma_wait3A_698, %dma_wait3A_699] : memref<64x1000000xf32, #tpu.memory_space<hbm>> -> memref<64x128xf32, #tpu.memory_space<hbm>>
      tpu.wait_dma2 semaphore(%arg8 : memref<!tpu.dma_semaphore, #tpu.memory_space<semaphore_mem>>) src(%dma_wait3A_700 : memref<64x128xf32, #tpu.memory_space<hbm>>) dst(%dma_wait3A_697 : memref<64x128xf32, #tpu.memory_space<vmem>>)
      %dma_wait3A_701 = arith.constant 2 : i32
      %dma_wait3A_702 = arith.constant 0 : i32
      %dma_wait3A_703 = arith.constant 0 : i32
      %dma_wait3A_704 = tpu.memref_slice %arg6[%dma_wait3A_701, %dma_wait3A_702, %dma_wait3A_703] : memref<8x64x128xf32, #tpu.memory_space<vmem>> -> memref<1x64x128xf32, #tpu.memory_space<vmem>>
      %dma_wait3A_705 = tpu.memref_squeeze %dma_wait3A_704 : memref<1x64x128xf32, #tpu.memory_space<vmem>> -> memref<64x128xf32, #tpu.memory_space<vmem>>
      %dma_wait3A_706 = arith.constant 0 : i32
      %dma_wait3A_707 = arith.constant 0 : i32
      %dma_wait3A_708 = tpu.memref_slice %arg3[%dma_wait3A_706, %dma_wait3A_707] : memref<64x1000000xf32, #tpu.memory_space<hbm>> -> memref<64x128xf32, #tpu.memory_space<hbm>>
      %dma_wait3A_709 = arith.constant 0 : i32
      %dma_wait3A_710 = arith.constant 0 : i32
      %dma_wait3A_711 = tpu.memref_slice %arg6[%dma_wait3A_701, %dma_wait3A_709, %dma_wait3A_710] : memref<8x64x128xf32, #tpu.memory_space<vmem>> -> memref<1x64x128xf32, #tpu.memory_space<vmem>>
      %dma_wait3A_712 = tpu.memref_squeeze %dma_wait3A_711 : memref<1x64x128xf32, #tpu.memory_space<vmem>> -> memref<64x128xf32, #tpu.memory_space<vmem>>
      %dma_wait3A_713 = arith.constant 0 : i32
      %dma_wait3A_714 = arith.constant 0 : i32
      %dma_wait3A_715 = tpu.memref_slice %arg3[%dma_wait3A_713, %dma_wait3A_714] : memref<64x1000000xf32, #tpu.memory_space<hbm>> -> memref<64x128xf32, #tpu.memory_space<hbm>>
      tpu.wait_dma2 semaphore(%arg8 : memref<!tpu.dma_semaphore, #tpu.memory_space<semaphore_mem>>) src(%dma_wait3A_715 : memref<64x128xf32, #tpu.memory_space<hbm>>) dst(%dma_wait3A_712 : memref<64x128xf32, #tpu.memory_space<vmem>>)
      %dma_wait3A_716 = arith.constant 3 : i32
      %dma_wait3A_717 = arith.constant 0 : i32
      %dma_wait3A_718 = arith.constant 0 : i32
      %dma_wait3A_719 = tpu.memref_slice %arg6[%dma_wait3A_716, %dma_wait3A_717, %dma_wait3A_718] : memref<8x64x128xf32, #tpu.memory_space<vmem>> -> memref<1x64x128xf32, #tpu.memory_space<vmem>>
      %dma_wait3A_720 = tpu.memref_squeeze %dma_wait3A_719 : memref<1x64x128xf32, #tpu.memory_space<vmem>> -> memref<64x128xf32, #tpu.memory_space<vmem>>
      %dma_wait3A_721 = arith.constant 0 : i32
      %dma_wait3A_722 = arith.constant 0 : i32
      %dma_wait3A_723 = tpu.memref_slice %arg3[%dma_wait3A_721, %dma_wait3A_722] : memref<64x1000000xf32, #tpu.memory_space<hbm>> -> memref<64x128xf32, #tpu.memory_space<hbm>>
      %dma_wait3A_724 = arith.constant 0 : i32
      %dma_wait3A_725 = arith.constant 0 : i32
      %dma_wait3A_726 = tpu.memref_slice %arg6[%dma_wait3A_716, %dma_wait3A_724, %dma_wait3A_725] : memref<8x64x128xf32, #tpu.memory_space<vmem>> -> memref<1x64x128xf32, #tpu.memory_space<vmem>>
      %dma_wait3A_727 = tpu.memref_squeeze %dma_wait3A_726 : memref<1x64x128xf32, #tpu.memory_space<vmem>> -> memref<64x128xf32, #tpu.memory_space<vmem>>
      %dma_wait3A_728 = arith.constant 0 : i32
      %dma_wait3A_729 = arith.constant 0 : i32
      %dma_wait3A_730 = tpu.memref_slice %arg3[%dma_wait3A_728, %dma_wait3A_729] : memref<64x1000000xf32, #tpu.memory_space<hbm>> -> memref<64x128xf32, #tpu.memory_space<hbm>>
      tpu.wait_dma2 semaphore(%arg8 : memref<!tpu.dma_semaphore, #tpu.memory_space<semaphore_mem>>) src(%dma_wait3A_730 : memref<64x128xf32, #tpu.memory_space<hbm>>) dst(%dma_wait3A_727 : memref<64x128xf32, #tpu.memory_space<vmem>>)
      %slice3A_731 = vector.extract_strided_slice %get3A_14 {offsets = [8], sizes = [1], strides = [1]} : vector<16xi32> to vector<1xi32>
      %squeeze3A_732 = vector.extract %slice3A_731[0] : i32 from vector<1xi32>
      %and3A_733 = arith.constant 127 : i32
      %and3A_734 = arith.andi %squeeze3A_732, %and3A_733 : i32
      %broadcast_in_dim3A_735 = vector.broadcast %and3A_734 : i32 to vector<16xi32>
      %broadcast_in_dim3A_736 = arith.constant 0 : i32
      %broadcast_in_dim3A_737 = vector.broadcast %broadcast_in_dim3A_736 : i32 to vector<16xi32>
      %mul3A_738 = arith.constant 16 : i32
      %mul3A_739 = arith.muli %add3A_11, %mul3A_738 : i32
      %add3A_740 = arith.constant 8 : i32
      %add3A_741 = arith.addi %mul3A_739, %add3A_740 : i32
      %broadcast_in_dim3A_742 = vector.broadcast %add3A_741 : i32 to vector<16xi32>
      %add3A_743 = arith.constant 0 : i32
      %add3A_744 = vector.broadcast %add3A_743 : i32 to vector<16xi32>
      %add3A_745 = arith.addi %add3A_744, %iota3A : vector<16xi32>
      %gather3A_746 = tpu.vector_load_idx %arg6[%broadcast_in_dim3A_737, %add3A_745, %broadcast_in_dim3A_735] : memref<8x64x128xf32, #tpu.memory_space<vmem>>[vector<16xi32>, vector<16xi32>, vector<16xi32>], vector<16xf32>,
      tpu.vector_store_idx %arg7[%add3A_745, %broadcast_in_dim3A_742], %gather3A_746 : memref<64x512xf32, #tpu.memory_space<vmem>>[vector<16xi32>, vector<16xi32>], vector<16xf32>,
      %add3A_747 = arith.constant 16 : i32
      %add3A_748 = vector.broadcast %add3A_747 : i32 to vector<16xi32>
      %add3A_749 = arith.addi %add3A_748, %iota3A : vector<16xi32>
      %gather3A_750 = tpu.vector_load_idx %arg6[%broadcast_in_dim3A_737, %add3A_749, %broadcast_in_dim3A_735] : memref<8x64x128xf32, #tpu.memory_space<vmem>>[vector<16xi32>, vector<16xi32>, vector<16xi32>], vector<16xf32>,
      tpu.vector_store_idx %arg7[%add3A_749, %broadcast_in_dim3A_742], %gather3A_750 : memref<64x512xf32, #tpu.memory_space<vmem>>[vector<16xi32>, vector<16xi32>], vector<16xf32>,
      %add3A_751 = arith.constant 32 : i32
      %add3A_752 = vector.broadcast %add3A_751 : i32 to vector<16xi32>
      %add3A_753 = arith.addi %add3A_752, %iota3A : vector<16xi32>
      %gather3A_754 = tpu.vector_load_idx %arg6[%broadcast_in_dim3A_737, %add3A_753, %broadcast_in_dim3A_735] : memref<8x64x128xf32, #tpu.memory_space<vmem>>[vector<16xi32>, vector<16xi32>, vector<16xi32>], vector<16xf32>,
      tpu.vector_store_idx %arg7[%add3A_753, %broadcast_in_dim3A_742], %gather3A_754 : memref<64x512xf32, #tpu.memory_space<vmem>>[vector<16xi32>, vector<16xi32>], vector<16xf32>,
      %add3A_755 = arith.constant 48 : i32
      %add3A_756 = vector.broadcast %add3A_755 : i32 to vector<16xi32>
      %add3A_757 = arith.addi %add3A_756, %iota3A : vector<16xi32>
      %gather3A_758 = tpu.vector_load_idx %arg6[%broadcast_in_dim3A_737, %add3A_757, %broadcast_in_dim3A_735] : memref<8x64x128xf32, #tpu.memory_space<vmem>>[vector<16xi32>, vector<16xi32>, vector<16xi32>], vector<16xf32>,
      tpu.vector_store_idx %arg7[%add3A_757, %broadcast_in_dim3A_742], %gather3A_758 : memref<64x512xf32, #tpu.memory_space<vmem>>[vector<16xi32>, vector<16xi32>], vector<16xf32>,
      %slice3A_759 = vector.extract_strided_slice %get3A_14 {offsets = [9], sizes = [1], strides = [1]} : vector<16xi32> to vector<1xi32>
      %squeeze3A_760 = vector.extract %slice3A_759[0] : i32 from vector<1xi32>
      %and3A_761 = arith.constant 127 : i32
      %and3A_762 = arith.andi %squeeze3A_760, %and3A_761 : i32
      %broadcast_in_dim3A_763 = vector.broadcast %and3A_762 : i32 to vector<16xi32>
      %broadcast_in_dim3A_764 = arith.constant 1 : i32
      %broadcast_in_dim3A_765 = vector.broadcast %broadcast_in_dim3A_764 : i32 to vector<16xi32>
      %mul3A_766 = arith.constant 16 : i32
      %mul3A_767 = arith.muli %add3A_11, %mul3A_766 : i32
      %add3A_768 = arith.constant 9 : i32
      %add3A_769 = arith.addi %mul3A_767, %add3A_768 : i32
      %broadcast_in_dim3A_770 = vector.broadcast %add3A_769 : i32 to vector<16xi32>
      %add3A_771 = arith.constant 0 : i32
      %add3A_772 = vector.broadcast %add3A_771 : i32 to vector<16xi32>
      %add3A_773 = arith.addi %add3A_772, %iota3A : vector<16xi32>
      %gather3A_774 = tpu.vector_load_idx %arg6[%broadcast_in_dim3A_765, %add3A_773, %broadcast_in_dim3A_763] : memref<8x64x128xf32, #tpu.memory_space<vmem>>[vector<16xi32>, vector<16xi32>, vector<16xi32>], vector<16xf32>,
      tpu.vector_store_idx %arg7[%add3A_773, %broadcast_in_dim3A_770], %gather3A_774 : memref<64x512xf32, #tpu.memory_space<vmem>>[vector<16xi32>, vector<16xi32>], vector<16xf32>,
      %add3A_775 = arith.constant 16 : i32
      %add3A_776 = vector.broadcast %add3A_775 : i32 to vector<16xi32>
      %add3A_777 = arith.addi %add3A_776, %iota3A : vector<16xi32>
      %gather3A_778 = tpu.vector_load_idx %arg6[%broadcast_in_dim3A_765, %add3A_777, %broadcast_in_dim3A_763] : memref<8x64x128xf32, #tpu.memory_space<vmem>>[vector<16xi32>, vector<16xi32>, vector<16xi32>], vector<16xf32>,
      tpu.vector_store_idx %arg7[%add3A_777, %broadcast_in_dim3A_770], %gather3A_778 : memref<64x512xf32, #tpu.memory_space<vmem>>[vector<16xi32>, vector<16xi32>], vector<16xf32>,
      %add3A_779 = arith.constant 32 : i32
      %add3A_780 = vector.broadcast %add3A_779 : i32 to vector<16xi32>
      %add3A_781 = arith.addi %add3A_780, %iota3A : vector<16xi32>
      %gather3A_782 = tpu.vector_load_idx %arg6[%broadcast_in_dim3A_765, %add3A_781, %broadcast_in_dim3A_763] : memref<8x64x128xf32, #tpu.memory_space<vmem>>[vector<16xi32>, vector<16xi32>, vector<16xi32>], vector<16xf32>,
      tpu.vector_store_idx %arg7[%add3A_781, %broadcast_in_dim3A_770], %gather3A_782 : memref<64x512xf32, #tpu.memory_space<vmem>>[vector<16xi32>, vector<16xi32>], vector<16xf32>,
      %add3A_783 = arith.constant 48 : i32
      %add3A_784 = vector.broadcast %add3A_783 : i32 to vector<16xi32>
      %add3A_785 = arith.addi %add3A_784, %iota3A : vector<16xi32>
      %gather3A_786 = tpu.vector_load_idx %arg6[%broadcast_in_dim3A_765, %add3A_785, %broadcast_in_dim3A_763] : memref<8x64x128xf32, #tpu.memory_space<vmem>>[vector<16xi32>, vector<16xi32>, vector<16xi32>], vector<16xf32>,
      tpu.vector_store_idx %arg7[%add3A_785, %broadcast_in_dim3A_770], %gather3A_786 : memref<64x512xf32, #tpu.memory_space<vmem>>[vector<16xi32>, vector<16xi32>], vector<16xf32>,
      %slice3A_787 = vector.extract_strided_slice %get3A_14 {offsets = [10], sizes = [1], strides = [1]} : vector<16xi32> to vector<1xi32>
      %squeeze3A_788 = vector.extract %slice3A_787[0] : i32 from vector<1xi32>
      %and3A_789 = arith.constant 127 : i32
      %and3A_790 = arith.andi %squeeze3A_788, %and3A_789 : i32
      %broadcast_in_dim3A_791 = vector.broadcast %and3A_790 : i32 to vector<16xi32>
      %broadcast_in_dim3A_792 = arith.constant 2 : i32
      %broadcast_in_dim3A_793 = vector.broadcast %broadcast_in_dim3A_792 : i32 to vector<16xi32>
      %mul3A_794 = arith.constant 16 : i32
      %mul3A_795 = arith.muli %add3A_11, %mul3A_794 : i32
      %add3A_796 = arith.constant 10 : i32
      %add3A_797 = arith.addi %mul3A_795, %add3A_796 : i32
      %broadcast_in_dim3A_798 = vector.broadcast %add3A_797 : i32 to vector<16xi32>
      %add3A_799 = arith.constant 0 : i32
      %add3A_800 = vector.broadcast %add3A_799 : i32 to vector<16xi32>
      %add3A_801 = arith.addi %add3A_800, %iota3A : vector<16xi32>
      %gather3A_802 = tpu.vector_load_idx %arg6[%broadcast_in_dim3A_793, %add3A_801, %broadcast_in_dim3A_791] : memref<8x64x128xf32, #tpu.memory_space<vmem>>[vector<16xi32>, vector<16xi32>, vector<16xi32>], vector<16xf32>,
      tpu.vector_store_idx %arg7[%add3A_801, %broadcast_in_dim3A_798], %gather3A_802 : memref<64x512xf32, #tpu.memory_space<vmem>>[vector<16xi32>, vector<16xi32>], vector<16xf32>,
      %add3A_803 = arith.constant 16 : i32
      %add3A_804 = vector.broadcast %add3A_803 : i32 to vector<16xi32>
      %add3A_805 = arith.addi %add3A_804, %iota3A : vector<16xi32>
      %gather3A_806 = tpu.vector_load_idx %arg6[%broadcast_in_dim3A_793, %add3A_805, %broadcast_in_dim3A_791] : memref<8x64x128xf32, #tpu.memory_space<vmem>>[vector<16xi32>, vector<16xi32>, vector<16xi32>], vector<16xf32>,
      tpu.vector_store_idx %arg7[%add3A_805, %broadcast_in_dim3A_798], %gather3A_806 : memref<64x512xf32, #tpu.memory_space<vmem>>[vector<16xi32>, vector<16xi32>], vector<16xf32>,
      %add3A_807 = arith.constant 32 : i32
      %add3A_808 = vector.broadcast %add3A_807 : i32 to vector<16xi32>
      %add3A_809 = arith.addi %add3A_808, %iota3A : vector<16xi32>
      %gather3A_810 = tpu.vector_load_idx %arg6[%broadcast_in_dim3A_793, %add3A_809, %broadcast_in_dim3A_791] : memref<8x64x128xf32, #tpu.memory_space<vmem>>[vector<16xi32>, vector<16xi32>, vector<16xi32>], vector<16xf32>,
      tpu.vector_store_idx %arg7[%add3A_809, %broadcast_in_dim3A_798], %gather3A_810 : memref<64x512xf32, #tpu.memory_space<vmem>>[vector<16xi32>, vector<16xi32>], vector<16xf32>,
      %add3A_811 = arith.constant 48 : i32
      %add3A_812 = vector.broadcast %add3A_811 : i32 to vector<16xi32>
      %add3A_813 = arith.addi %add3A_812, %iota3A : vector<16xi32>
      %gather3A_814 = tpu.vector_load_idx %arg6[%broadcast_in_dim3A_793, %add3A_813, %broadcast_in_dim3A_791] : memref<8x64x128xf32, #tpu.memory_space<vmem>>[vector<16xi32>, vector<16xi32>, vector<16xi32>], vector<16xf32>,
      tpu.vector_store_idx %arg7[%add3A_813, %broadcast_in_dim3A_798], %gather3A_814 : memref<64x512xf32, #tpu.memory_space<vmem>>[vector<16xi32>, vector<16xi32>], vector<16xf32>,
      %slice3A_815 = vector.extract_strided_slice %get3A_14 {offsets = [11], sizes = [1], strides = [1]} : vector<16xi32> to vector<1xi32>
      %squeeze3A_816 = vector.extract %slice3A_815[0] : i32 from vector<1xi32>
      %and3A_817 = arith.constant 127 : i32
      %and3A_818 = arith.andi %squeeze3A_816, %and3A_817 : i32
      %broadcast_in_dim3A_819 = vector.broadcast %and3A_818 : i32 to vector<16xi32>
      %broadcast_in_dim3A_820 = arith.constant 3 : i32
      %broadcast_in_dim3A_821 = vector.broadcast %broadcast_in_dim3A_820 : i32 to vector<16xi32>
      %mul3A_822 = arith.constant 16 : i32
      %mul3A_823 = arith.muli %add3A_11, %mul3A_822 : i32
      %add3A_824 = arith.constant 11 : i32
      %add3A_825 = arith.addi %mul3A_823, %add3A_824 : i32
      %broadcast_in_dim3A_826 = vector.broadcast %add3A_825 : i32 to vector<16xi32>
      %add3A_827 = arith.constant 0 : i32
      %add3A_828 = vector.broadcast %add3A_827 : i32 to vector<16xi32>
      %add3A_829 = arith.addi %add3A_828, %iota3A : vector<16xi32>
      %gather3A_830 = tpu.vector_load_idx %arg6[%broadcast_in_dim3A_821, %add3A_829, %broadcast_in_dim3A_819] : memref<8x64x128xf32, #tpu.memory_space<vmem>>[vector<16xi32>, vector<16xi32>, vector<16xi32>], vector<16xf32>,
      tpu.vector_store_idx %arg7[%add3A_829, %broadcast_in_dim3A_826], %gather3A_830 : memref<64x512xf32, #tpu.memory_space<vmem>>[vector<16xi32>, vector<16xi32>], vector<16xf32>,
      %add3A_831 = arith.constant 16 : i32
      %add3A_832 = vector.broadcast %add3A_831 : i32 to vector<16xi32>
      %add3A_833 = arith.addi %add3A_832, %iota3A : vector<16xi32>
      %gather3A_834 = tpu.vector_load_idx %arg6[%broadcast_in_dim3A_821, %add3A_833, %broadcast_in_dim3A_819] : memref<8x64x128xf32, #tpu.memory_space<vmem>>[vector<16xi32>, vector<16xi32>, vector<16xi32>], vector<16xf32>,
      tpu.vector_store_idx %arg7[%add3A_833, %broadcast_in_dim3A_826], %gather3A_834 : memref<64x512xf32, #tpu.memory_space<vmem>>[vector<16xi32>, vector<16xi32>], vector<16xf32>,
      %add3A_835 = arith.constant 32 : i32
      %add3A_836 = vector.broadcast %add3A_835 : i32 to vector<16xi32>
      %add3A_837 = arith.addi %add3A_836, %iota3A : vector<16xi32>
      %gather3A_838 = tpu.vector_load_idx %arg6[%broadcast_in_dim3A_821, %add3A_837, %broadcast_in_dim3A_819] : memref<8x64x128xf32, #tpu.memory_space<vmem>>[vector<16xi32>, vector<16xi32>, vector<16xi32>], vector<16xf32>,
      tpu.vector_store_idx %arg7[%add3A_837, %broadcast_in_dim3A_826], %gather3A_838 : memref<64x512xf32, #tpu.memory_space<vmem>>[vector<16xi32>, vector<16xi32>], vector<16xf32>,
      %add3A_839 = arith.constant 48 : i32
      %add3A_840 = vector.broadcast %add3A_839 : i32 to vector<16xi32>
      %add3A_841 = arith.addi %add3A_840, %iota3A : vector<16xi32>
      %gather3A_842 = tpu.vector_load_idx %arg6[%broadcast_in_dim3A_821, %add3A_841, %broadcast_in_dim3A_819] : memref<8x64x128xf32, #tpu.memory_space<vmem>>[vector<16xi32>, vector<16xi32>, vector<16xi32>], vector<16xf32>,
      tpu.vector_store_idx %arg7[%add3A_841, %broadcast_in_dim3A_826], %gather3A_842 : memref<64x512xf32, #tpu.memory_space<vmem>>[vector<16xi32>, vector<16xi32>], vector<16xf32>,
      %dma_wait3A_843 = arith.constant 4 : i32
      %dma_wait3A_844 = arith.constant 0 : i32
      %dma_wait3A_845 = arith.constant 0 : i32
      %dma_wait3A_846 = tpu.memref_slice %arg6[%dma_wait3A_843, %dma_wait3A_844, %dma_wait3A_845] : memref<8x64x128xf32, #tpu.memory_space<vmem>> -> memref<1x64x128xf32, #tpu.memory_space<vmem>>
      %dma_wait3A_847 = tpu.memref_squeeze %dma_wait3A_846 : memref<1x64x128xf32, #tpu.memory_space<vmem>> -> memref<64x128xf32, #tpu.memory_space<vmem>>
      %dma_wait3A_848 = arith.constant 0 : i32
      %dma_wait3A_849 = arith.constant 0 : i32
      %dma_wait3A_850 = tpu.memref_slice %arg3[%dma_wait3A_848, %dma_wait3A_849] : memref<64x1000000xf32, #tpu.memory_space<hbm>> -> memref<64x128xf32, #tpu.memory_space<hbm>>
      %dma_wait3A_851 = arith.constant 0 : i32
      %dma_wait3A_852 = arith.constant 0 : i32
      %dma_wait3A_853 = tpu.memref_slice %arg6[%dma_wait3A_843, %dma_wait3A_851, %dma_wait3A_852] : memref<8x64x128xf32, #tpu.memory_space<vmem>> -> memref<1x64x128xf32, #tpu.memory_space<vmem>>
      %dma_wait3A_854 = tpu.memref_squeeze %dma_wait3A_853 : memref<1x64x128xf32, #tpu.memory_space<vmem>> -> memref<64x128xf32, #tpu.memory_space<vmem>>
      %dma_wait3A_855 = arith.constant 0 : i32
      %dma_wait3A_856 = arith.constant 0 : i32
      %dma_wait3A_857 = tpu.memref_slice %arg3[%dma_wait3A_855, %dma_wait3A_856] : memref<64x1000000xf32, #tpu.memory_space<hbm>> -> memref<64x128xf32, #tpu.memory_space<hbm>>
      tpu.wait_dma2 semaphore(%arg9 : memref<!tpu.dma_semaphore, #tpu.memory_space<semaphore_mem>>) src(%dma_wait3A_857 : memref<64x128xf32, #tpu.memory_space<hbm>>) dst(%dma_wait3A_854 : memref<64x128xf32, #tpu.memory_space<vmem>>)
      %dma_wait3A_858 = arith.constant 5 : i32
      %dma_wait3A_859 = arith.constant 0 : i32
      %dma_wait3A_860 = arith.constant 0 : i32
      %dma_wait3A_861 = tpu.memref_slice %arg6[%dma_wait3A_858, %dma_wait3A_859, %dma_wait3A_860] : memref<8x64x128xf32, #tpu.memory_space<vmem>> -> memref<1x64x128xf32, #tpu.memory_space<vmem>>
      %dma_wait3A_862 = tpu.memref_squeeze %dma_wait3A_861 : memref<1x64x128xf32, #tpu.memory_space<vmem>> -> memref<64x128xf32, #tpu.memory_space<vmem>>
      %dma_wait3A_863 = arith.constant 0 : i32
      %dma_wait3A_864 = arith.constant 0 : i32
      %dma_wait3A_865 = tpu.memref_slice %arg3[%dma_wait3A_863, %dma_wait3A_864] : memref<64x1000000xf32, #tpu.memory_space<hbm>> -> memref<64x128xf32, #tpu.memory_space<hbm>>
      %dma_wait3A_866 = arith.constant 0 : i32
      %dma_wait3A_867 = arith.constant 0 : i32
      %dma_wait3A_868 = tpu.memref_slice %arg6[%dma_wait3A_858, %dma_wait3A_866, %dma_wait3A_867] : memref<8x64x128xf32, #tpu.memory_space<vmem>> -> memref<1x64x128xf32, #tpu.memory_space<vmem>>
      %dma_wait3A_869 = tpu.memref_squeeze %dma_wait3A_868 : memref<1x64x128xf32, #tpu.memory_space<vmem>> -> memref<64x128xf32, #tpu.memory_space<vmem>>
      %dma_wait3A_870 = arith.constant 0 : i32
      %dma_wait3A_871 = arith.constant 0 : i32
      %dma_wait3A_872 = tpu.memref_slice %arg3[%dma_wait3A_870, %dma_wait3A_871] : memref<64x1000000xf32, #tpu.memory_space<hbm>> -> memref<64x128xf32, #tpu.memory_space<hbm>>
      tpu.wait_dma2 semaphore(%arg9 : memref<!tpu.dma_semaphore, #tpu.memory_space<semaphore_mem>>) src(%dma_wait3A_872 : memref<64x128xf32, #tpu.memory_space<hbm>>) dst(%dma_wait3A_869 : memref<64x128xf32, #tpu.memory_space<vmem>>)
      %dma_wait3A_873 = arith.constant 6 : i32
      %dma_wait3A_874 = arith.constant 0 : i32
      %dma_wait3A_875 = arith.constant 0 : i32
      %dma_wait3A_876 = tpu.memref_slice %arg6[%dma_wait3A_873, %dma_wait3A_874, %dma_wait3A_875] : memref<8x64x128xf32, #tpu.memory_space<vmem>> -> memref<1x64x128xf32, #tpu.memory_space<vmem>>
      %dma_wait3A_877 = tpu.memref_squeeze %dma_wait3A_876 : memref<1x64x128xf32, #tpu.memory_space<vmem>> -> memref<64x128xf32, #tpu.memory_space<vmem>>
      %dma_wait3A_878 = arith.constant 0 : i32
      %dma_wait3A_879 = arith.constant 0 : i32
      %dma_wait3A_880 = tpu.memref_slice %arg3[%dma_wait3A_878, %dma_wait3A_879] : memref<64x1000000xf32, #tpu.memory_space<hbm>> -> memref<64x128xf32, #tpu.memory_space<hbm>>
      %dma_wait3A_881 = arith.constant 0 : i32
      %dma_wait3A_882 = arith.constant 0 : i32
      %dma_wait3A_883 = tpu.memref_slice %arg6[%dma_wait3A_873, %dma_wait3A_881, %dma_wait3A_882] : memref<8x64x128xf32, #tpu.memory_space<vmem>> -> memref<1x64x128xf32, #tpu.memory_space<vmem>>
      %dma_wait3A_884 = tpu.memref_squeeze %dma_wait3A_883 : memref<1x64x128xf32, #tpu.memory_space<vmem>> -> memref<64x128xf32, #tpu.memory_space<vmem>>
      %dma_wait3A_885 = arith.constant 0 : i32
      %dma_wait3A_886 = arith.constant 0 : i32
      %dma_wait3A_887 = tpu.memref_slice %arg3[%dma_wait3A_885, %dma_wait3A_886] : memref<64x1000000xf32, #tpu.memory_space<hbm>> -> memref<64x128xf32, #tpu.memory_space<hbm>>
      tpu.wait_dma2 semaphore(%arg9 : memref<!tpu.dma_semaphore, #tpu.memory_space<semaphore_mem>>) src(%dma_wait3A_887 : memref<64x128xf32, #tpu.memory_space<hbm>>) dst(%dma_wait3A_884 : memref<64x128xf32, #tpu.memory_space<vmem>>)
      %dma_wait3A_888 = arith.constant 7 : i32
      %dma_wait3A_889 = arith.constant 0 : i32
      %dma_wait3A_890 = arith.constant 0 : i32
      %dma_wait3A_891 = tpu.memref_slice %arg6[%dma_wait3A_888, %dma_wait3A_889, %dma_wait3A_890] : memref<8x64x128xf32, #tpu.memory_space<vmem>> -> memref<1x64x128xf32, #tpu.memory_space<vmem>>
      %dma_wait3A_892 = tpu.memref_squeeze %dma_wait3A_891 : memref<1x64x128xf32, #tpu.memory_space<vmem>> -> memref<64x128xf32, #tpu.memory_space<vmem>>
      %dma_wait3A_893 = arith.constant 0 : i32
      %dma_wait3A_894 = arith.constant 0 : i32
      %dma_wait3A_895 = tpu.memref_slice %arg3[%dma_wait3A_893, %dma_wait3A_894] : memref<64x1000000xf32, #tpu.memory_space<hbm>> -> memref<64x128xf32, #tpu.memory_space<hbm>>
      %dma_wait3A_896 = arith.constant 0 : i32
      %dma_wait3A_897 = arith.constant 0 : i32
      %dma_wait3A_898 = tpu.memref_slice %arg6[%dma_wait3A_888, %dma_wait3A_896, %dma_wait3A_897] : memref<8x64x128xf32, #tpu.memory_space<vmem>> -> memref<1x64x128xf32, #tpu.memory_space<vmem>>
      %dma_wait3A_899 = tpu.memref_squeeze %dma_wait3A_898 : memref<1x64x128xf32, #tpu.memory_space<vmem>> -> memref<64x128xf32, #tpu.memory_space<vmem>>
      %dma_wait3A_900 = arith.constant 0 : i32
      %dma_wait3A_901 = arith.constant 0 : i32
      %dma_wait3A_902 = tpu.memref_slice %arg3[%dma_wait3A_900, %dma_wait3A_901] : memref<64x1000000xf32, #tpu.memory_space<hbm>> -> memref<64x128xf32, #tpu.memory_space<hbm>>
      tpu.wait_dma2 semaphore(%arg9 : memref<!tpu.dma_semaphore, #tpu.memory_space<semaphore_mem>>) src(%dma_wait3A_902 : memref<64x128xf32, #tpu.memory_space<hbm>>) dst(%dma_wait3A_899 : memref<64x128xf32, #tpu.memory_space<vmem>>)
      %slice3A_903 = vector.extract_strided_slice %get3A_14 {offsets = [12], sizes = [1], strides = [1]} : vector<16xi32> to vector<1xi32>
      %squeeze3A_904 = vector.extract %slice3A_903[0] : i32 from vector<1xi32>
      %and3A_905 = arith.constant 127 : i32
      %and3A_906 = arith.andi %squeeze3A_904, %and3A_905 : i32
      %broadcast_in_dim3A_907 = vector.broadcast %and3A_906 : i32 to vector<16xi32>
      %broadcast_in_dim3A_908 = arith.constant 4 : i32
      %broadcast_in_dim3A_909 = vector.broadcast %broadcast_in_dim3A_908 : i32 to vector<16xi32>
      %mul3A_910 = arith.constant 16 : i32
      %mul3A_911 = arith.muli %add3A_11, %mul3A_910 : i32
      %add3A_912 = arith.constant 12 : i32
      %add3A_913 = arith.addi %mul3A_911, %add3A_912 : i32
      %broadcast_in_dim3A_914 = vector.broadcast %add3A_913 : i32 to vector<16xi32>
      %add3A_915 = arith.constant 0 : i32
      %add3A_916 = vector.broadcast %add3A_915 : i32 to vector<16xi32>
      %add3A_917 = arith.addi %add3A_916, %iota3A : vector<16xi32>
      %gather3A_918 = tpu.vector_load_idx %arg6[%broadcast_in_dim3A_909, %add3A_917, %broadcast_in_dim3A_907] : memref<8x64x128xf32, #tpu.memory_space<vmem>>[vector<16xi32>, vector<16xi32>, vector<16xi32>], vector<16xf32>,
      tpu.vector_store_idx %arg7[%add3A_917, %broadcast_in_dim3A_914], %gather3A_918 : memref<64x512xf32, #tpu.memory_space<vmem>>[vector<16xi32>, vector<16xi32>], vector<16xf32>,
      %add3A_919 = arith.constant 16 : i32
      %add3A_920 = vector.broadcast %add3A_919 : i32 to vector<16xi32>
      %add3A_921 = arith.addi %add3A_920, %iota3A : vector<16xi32>
      %gather3A_922 = tpu.vector_load_idx %arg6[%broadcast_in_dim3A_909, %add3A_921, %broadcast_in_dim3A_907] : memref<8x64x128xf32, #tpu.memory_space<vmem>>[vector<16xi32>, vector<16xi32>, vector<16xi32>], vector<16xf32>,
      tpu.vector_store_idx %arg7[%add3A_921, %broadcast_in_dim3A_914], %gather3A_922 : memref<64x512xf32, #tpu.memory_space<vmem>>[vector<16xi32>, vector<16xi32>], vector<16xf32>,
      %add3A_923 = arith.constant 32 : i32
      %add3A_924 = vector.broadcast %add3A_923 : i32 to vector<16xi32>
      %add3A_925 = arith.addi %add3A_924, %iota3A : vector<16xi32>
      %gather3A_926 = tpu.vector_load_idx %arg6[%broadcast_in_dim3A_909, %add3A_925, %broadcast_in_dim3A_907] : memref<8x64x128xf32, #tpu.memory_space<vmem>>[vector<16xi32>, vector<16xi32>, vector<16xi32>], vector<16xf32>,
      tpu.vector_store_idx %arg7[%add3A_925, %broadcast_in_dim3A_914], %gather3A_926 : memref<64x512xf32, #tpu.memory_space<vmem>>[vector<16xi32>, vector<16xi32>], vector<16xf32>,
      %add3A_927 = arith.constant 48 : i32
      %add3A_928 = vector.broadcast %add3A_927 : i32 to vector<16xi32>
      %add3A_929 = arith.addi %add3A_928, %iota3A : vector<16xi32>
      %gather3A_930 = tpu.vector_load_idx %arg6[%broadcast_in_dim3A_909, %add3A_929, %broadcast_in_dim3A_907] : memref<8x64x128xf32, #tpu.memory_space<vmem>>[vector<16xi32>, vector<16xi32>, vector<16xi32>], vector<16xf32>,
      tpu.vector_store_idx %arg7[%add3A_929, %broadcast_in_dim3A_914], %gather3A_930 : memref<64x512xf32, #tpu.memory_space<vmem>>[vector<16xi32>, vector<16xi32>], vector<16xf32>,
      %slice3A_931 = vector.extract_strided_slice %get3A_14 {offsets = [13], sizes = [1], strides = [1]} : vector<16xi32> to vector<1xi32>
      %squeeze3A_932 = vector.extract %slice3A_931[0] : i32 from vector<1xi32>
      %and3A_933 = arith.constant 127 : i32
      %and3A_934 = arith.andi %squeeze3A_932, %and3A_933 : i32
      %broadcast_in_dim3A_935 = vector.broadcast %and3A_934 : i32 to vector<16xi32>
      %broadcast_in_dim3A_936 = arith.constant 5 : i32
      %broadcast_in_dim3A_937 = vector.broadcast %broadcast_in_dim3A_936 : i32 to vector<16xi32>
      %mul3A_938 = arith.constant 16 : i32
      %mul3A_939 = arith.muli %add3A_11, %mul3A_938 : i32
      %add3A_940 = arith.constant 13 : i32
      %add3A_941 = arith.addi %mul3A_939, %add3A_940 : i32
      %broadcast_in_dim3A_942 = vector.broadcast %add3A_941 : i32 to vector<16xi32>
      %add3A_943 = arith.constant 0 : i32
      %add3A_944 = vector.broadcast %add3A_943 : i32 to vector<16xi32>
      %add3A_945 = arith.addi %add3A_944, %iota3A : vector<16xi32>
      %gather3A_946 = tpu.vector_load_idx %arg6[%broadcast_in_dim3A_937, %add3A_945, %broadcast_in_dim3A_935] : memref<8x64x128xf32, #tpu.memory_space<vmem>>[vector<16xi32>, vector<16xi32>, vector<16xi32>], vector<16xf32>,
      tpu.vector_store_idx %arg7[%add3A_945, %broadcast_in_dim3A_942], %gather3A_946 : memref<64x512xf32, #tpu.memory_space<vmem>>[vector<16xi32>, vector<16xi32>], vector<16xf32>,
      %add3A_947 = arith.constant 16 : i32
      %add3A_948 = vector.broadcast %add3A_947 : i32 to vector<16xi32>
      %add3A_949 = arith.addi %add3A_948, %iota3A : vector<16xi32>
      %gather3A_950 = tpu.vector_load_idx %arg6[%broadcast_in_dim3A_937, %add3A_949, %broadcast_in_dim3A_935] : memref<8x64x128xf32, #tpu.memory_space<vmem>>[vector<16xi32>, vector<16xi32>, vector<16xi32>], vector<16xf32>,
      tpu.vector_store_idx %arg7[%add3A_949, %broadcast_in_dim3A_942], %gather3A_950 : memref<64x512xf32, #tpu.memory_space<vmem>>[vector<16xi32>, vector<16xi32>], vector<16xf32>,
      %add3A_951 = arith.constant 32 : i32
      %add3A_952 = vector.broadcast %add3A_951 : i32 to vector<16xi32>
      %add3A_953 = arith.addi %add3A_952, %iota3A : vector<16xi32>
      %gather3A_954 = tpu.vector_load_idx %arg6[%broadcast_in_dim3A_937, %add3A_953, %broadcast_in_dim3A_935] : memref<8x64x128xf32, #tpu.memory_space<vmem>>[vector<16xi32>, vector<16xi32>, vector<16xi32>], vector<16xf32>,
      tpu.vector_store_idx %arg7[%add3A_953, %broadcast_in_dim3A_942], %gather3A_954 : memref<64x512xf32, #tpu.memory_space<vmem>>[vector<16xi32>, vector<16xi32>], vector<16xf32>,
      %add3A_955 = arith.constant 48 : i32
      %add3A_956 = vector.broadcast %add3A_955 : i32 to vector<16xi32>
      %add3A_957 = arith.addi %add3A_956, %iota3A : vector<16xi32>
      %gather3A_958 = tpu.vector_load_idx %arg6[%broadcast_in_dim3A_937, %add3A_957, %broadcast_in_dim3A_935] : memref<8x64x128xf32, #tpu.memory_space<vmem>>[vector<16xi32>, vector<16xi32>, vector<16xi32>], vector<16xf32>,
      tpu.vector_store_idx %arg7[%add3A_957, %broadcast_in_dim3A_942], %gather3A_958 : memref<64x512xf32, #tpu.memory_space<vmem>>[vector<16xi32>, vector<16xi32>], vector<16xf32>,
      %slice3A_959 = vector.extract_strided_slice %get3A_14 {offsets = [14], sizes = [1], strides = [1]} : vector<16xi32> to vector<1xi32>
      %squeeze3A_960 = vector.extract %slice3A_959[0] : i32 from vector<1xi32>
      %and3A_961 = arith.constant 127 : i32
      %and3A_962 = arith.andi %squeeze3A_960, %and3A_961 : i32
      %broadcast_in_dim3A_963 = vector.broadcast %and3A_962 : i32 to vector<16xi32>
      %broadcast_in_dim3A_964 = arith.constant 6 : i32
      %broadcast_in_dim3A_965 = vector.broadcast %broadcast_in_dim3A_964 : i32 to vector<16xi32>
      %mul3A_966 = arith.constant 16 : i32
      %mul3A_967 = arith.muli %add3A_11, %mul3A_966 : i32
      %add3A_968 = arith.constant 14 : i32
      %add3A_969 = arith.addi %mul3A_967, %add3A_968 : i32
      %broadcast_in_dim3A_970 = vector.broadcast %add3A_969 : i32 to vector<16xi32>
      %add3A_971 = arith.constant 0 : i32
      %add3A_972 = vector.broadcast %add3A_971 : i32 to vector<16xi32>
      %add3A_973 = arith.addi %add3A_972, %iota3A : vector<16xi32>
      %gather3A_974 = tpu.vector_load_idx %arg6[%broadcast_in_dim3A_965, %add3A_973, %broadcast_in_dim3A_963] : memref<8x64x128xf32, #tpu.memory_space<vmem>>[vector<16xi32>, vector<16xi32>, vector<16xi32>], vector<16xf32>,
      tpu.vector_store_idx %arg7[%add3A_973, %broadcast_in_dim3A_970], %gather3A_974 : memref<64x512xf32, #tpu.memory_space<vmem>>[vector<16xi32>, vector<16xi32>], vector<16xf32>,
      %add3A_975 = arith.constant 16 : i32
      %add3A_976 = vector.broadcast %add3A_975 : i32 to vector<16xi32>
      %add3A_977 = arith.addi %add3A_976, %iota3A : vector<16xi32>
      %gather3A_978 = tpu.vector_load_idx %arg6[%broadcast_in_dim3A_965, %add3A_977, %broadcast_in_dim3A_963] : memref<8x64x128xf32, #tpu.memory_space<vmem>>[vector<16xi32>, vector<16xi32>, vector<16xi32>], vector<16xf32>,
      tpu.vector_store_idx %arg7[%add3A_977, %broadcast_in_dim3A_970], %gather3A_978 : memref<64x512xf32, #tpu.memory_space<vmem>>[vector<16xi32>, vector<16xi32>], vector<16xf32>,
      %add3A_979 = arith.constant 32 : i32
      %add3A_980 = vector.broadcast %add3A_979 : i32 to vector<16xi32>
      %add3A_981 = arith.addi %add3A_980, %iota3A : vector<16xi32>
      %gather3A_982 = tpu.vector_load_idx %arg6[%broadcast_in_dim3A_965, %add3A_981, %broadcast_in_dim3A_963] : memref<8x64x128xf32, #tpu.memory_space<vmem>>[vector<16xi32>, vector<16xi32>, vector<16xi32>], vector<16xf32>,
      tpu.vector_store_idx %arg7[%add3A_981, %broadcast_in_dim3A_970], %gather3A_982 : memref<64x512xf32, #tpu.memory_space<vmem>>[vector<16xi32>, vector<16xi32>], vector<16xf32>,
      %add3A_983 = arith.constant 48 : i32
      %add3A_984 = vector.broadcast %add3A_983 : i32 to vector<16xi32>
      %add3A_985 = arith.addi %add3A_984, %iota3A : vector<16xi32>
      %gather3A_986 = tpu.vector_load_idx %arg6[%broadcast_in_dim3A_965, %add3A_985, %broadcast_in_dim3A_963] : memref<8x64x128xf32, #tpu.memory_space<vmem>>[vector<16xi32>, vector<16xi32>, vector<16xi32>], vector<16xf32>,
      tpu.vector_store_idx %arg7[%add3A_985, %broadcast_in_dim3A_970], %gather3A_986 : memref<64x512xf32, #tpu.memory_space<vmem>>[vector<16xi32>, vector<16xi32>], vector<16xf32>,
      %slice3A_987 = vector.extract_strided_slice %get3A_14 {offsets = [15], sizes = [1], strides = [1]} : vector<16xi32> to vector<1xi32>
      %squeeze3A_988 = vector.extract %slice3A_987[0] : i32 from vector<1xi32>
      %and3A_989 = arith.constant 127 : i32
      %and3A_990 = arith.andi %squeeze3A_988, %and3A_989 : i32
      %broadcast_in_dim3A_991 = vector.broadcast %and3A_990 : i32 to vector<16xi32>
      %broadcast_in_dim3A_992 = arith.constant 7 : i32
      %broadcast_in_dim3A_993 = vector.broadcast %broadcast_in_dim3A_992 : i32 to vector<16xi32>
      %mul3A_994 = arith.constant 16 : i32
      %mul3A_995 = arith.muli %add3A_11, %mul3A_994 : i32
      %add3A_996 = arith.constant 15 : i32
      %add3A_997 = arith.addi %mul3A_995, %add3A_996 : i32
      %broadcast_in_dim3A_998 = vector.broadcast %add3A_997 : i32 to vector<16xi32>
      %add3A_999 = arith.constant 0 : i32
      %add3A_1000 = vector.broadcast %add3A_999 : i32 to vector<16xi32>
      %add3A_1001 = arith.addi %add3A_1000, %iota3A : vector<16xi32>
      %gather3A_1002 = tpu.vector_load_idx %arg6[%broadcast_in_dim3A_993, %add3A_1001, %broadcast_in_dim3A_991] : memref<8x64x128xf32, #tpu.memory_space<vmem>>[vector<16xi32>, vector<16xi32>, vector<16xi32>], vector<16xf32>,
      tpu.vector_store_idx %arg7[%add3A_1001, %broadcast_in_dim3A_998], %gather3A_1002 : memref<64x512xf32, #tpu.memory_space<vmem>>[vector<16xi32>, vector<16xi32>], vector<16xf32>,
      %add3A_1003 = arith.constant 16 : i32
      %add3A_1004 = vector.broadcast %add3A_1003 : i32 to vector<16xi32>
      %add3A_1005 = arith.addi %add3A_1004, %iota3A : vector<16xi32>
      %gather3A_1006 = tpu.vector_load_idx %arg6[%broadcast_in_dim3A_993, %add3A_1005, %broadcast_in_dim3A_991] : memref<8x64x128xf32, #tpu.memory_space<vmem>>[vector<16xi32>, vector<16xi32>, vector<16xi32>], vector<16xf32>,
      tpu.vector_store_idx %arg7[%add3A_1005, %broadcast_in_dim3A_998], %gather3A_1006 : memref<64x512xf32, #tpu.memory_space<vmem>>[vector<16xi32>, vector<16xi32>], vector<16xf32>,
      %add3A_1007 = arith.constant 32 : i32
      %add3A_1008 = vector.broadcast %add3A_1007 : i32 to vector<16xi32>
      %add3A_1009 = arith.addi %add3A_1008, %iota3A : vector<16xi32>
      %gather3A_1010 = tpu.vector_load_idx %arg6[%broadcast_in_dim3A_993, %add3A_1009, %broadcast_in_dim3A_991] : memref<8x64x128xf32, #tpu.memory_space<vmem>>[vector<16xi32>, vector<16xi32>, vector<16xi32>], vector<16xf32>,
      tpu.vector_store_idx %arg7[%add3A_1009, %broadcast_in_dim3A_998], %gather3A_1010 : memref<64x512xf32, #tpu.memory_space<vmem>>[vector<16xi32>, vector<16xi32>], vector<16xf32>,
      %add3A_1011 = arith.constant 48 : i32
      %add3A_1012 = vector.broadcast %add3A_1011 : i32 to vector<16xi32>
      %add3A_1013 = arith.addi %add3A_1012, %iota3A : vector<16xi32>
      %gather3A_1014 = tpu.vector_load_idx %arg6[%broadcast_in_dim3A_993, %add3A_1013, %broadcast_in_dim3A_991] : memref<8x64x128xf32, #tpu.memory_space<vmem>>[vector<16xi32>, vector<16xi32>, vector<16xi32>], vector<16xf32>,
      tpu.vector_store_idx %arg7[%add3A_1013, %broadcast_in_dim3A_998], %gather3A_1014 : memref<64x512xf32, #tpu.memory_space<vmem>>[vector<16xi32>, vector<16xi32>], vector<16xf32>,
    }
    %scan3A_6 = arith.constant 32 : i32
    "tpu.region"() ({
      %run_scoped3A = tpu.sem_alloc : memref<!tpu.dma_semaphore, #tpu.memory_space<semaphore_mem>>
      %dma_start3A = arith.constant 0 : i32
      %dma_start3A_7 = tpu.memref_slice %arg4[%dma_start3A, %multiple_of3A] : memref<64x16384xf32, #tpu.memory_space<hbm>> -> memref<64x512xf32, #tpu.memory_space<hbm>>
      %dma_start3A_8 = arith.constant 0 : i32
      %dma_start3A_9 = tpu.memref_slice %arg4[%dma_start3A_8, %multiple_of3A] : memref<64x16384xf32, #tpu.memory_space<hbm>> -> memref<64x512xf32, #tpu.memory_space<hbm>>
      tpu.enqueue_dma source(%arg7 : memref<64x512xf32, #tpu.memory_space<vmem>>) target(%dma_start3A_9 : memref<64x512xf32, #tpu.memory_space<hbm>>) target_semaphore(%run_scoped3A : memref<!tpu.dma_semaphore, #tpu.memory_space<semaphore_mem>>)
      %dma_wait3A = arith.constant 0 : i32
      %dma_wait3A_10 = tpu.memref_slice %arg4[%dma_wait3A, %multiple_of3A] : memref<64x16384xf32, #tpu.memory_space<hbm>> -> memref<64x512xf32, #tpu.memory_space<hbm>>
      %dma_wait3A_11 = arith.constant 0 : i32
      %dma_wait3A_12 = tpu.memref_slice %arg4[%dma_wait3A_11, %multiple_of3A] : memref<64x16384xf32, #tpu.memory_space<hbm>> -> memref<64x512xf32, #tpu.memory_space<hbm>>
      tpu.wait_dma2 semaphore(%run_scoped3A : memref<!tpu.dma_semaphore, #tpu.memory_space<semaphore_mem>>) src(%arg7 : memref<64x512xf32, #tpu.memory_space<vmem>>) dst(%dma_wait3A_12 : memref<64x512xf32, #tpu.memory_space<hbm>>)
      tpu.yield
    }) : () -> ()
    return
  }
}

</mosaic_0001>

<sc_bundles>
// kernel: kernel.3.cloned.1.call-start
scs
__scs_entry_jumppad:
0x0: {  	(pc) =	sbr.rel $0x88, $3  }
0x1: {  	(tag) =	ssettag $0x0;
	lr =	simm.s32 $0x1  }
0x2: {  	[smem:$0x3F9F] =	sst lr;
	_ =	strace $0xD0000000  }
0x3: {  	_ = 	snop  }
0x4: {  	_ = 	snop  }
0x5: {  	_ = 	snop  }
0x6: {  	_ = 	snop  }
0x7: {  	_ = 	snop  }
__scs_overlays_trampoline_lowered:
0x8: {  	[smem:$0x3FAE] =	sst s0  }
0x9: {  	[smem:$0x3FAF] =	sst s1  }
0xa: {  	[smem:$0x3FB0] =	sst s2  }
0xb: {  	[smem:$0x3FB1] =	sst s3  }
0xc: {  	[smem:$0x3FB2] =	sst s4  }
0xd: {  	[smem:$0x3FB3] =	sst s5  }
0xe: {  	[smem:$0x3FB4] =	sst s6  }
0xf: {  	[smem:$0x3FB5] =	sst s7  }
0x10: {  	[smem:$0x3FB6] =	sst s8  }
0x11: {  	[smem:$0x3FB7] =	sst s9;
	s0 =	simm.s32 @!p0 $0x0  }
0x12: {  	s1 =	sld [smem:$0x3F9D];
	s0 =	simm.s32 @p0 $0x1  }
0x13: {  	[smem:$0x3FB8] =	sst s0;
	s0 =	simm.s32 @!p1 $0x0  }
0x14: {  	s2 =	sld [smem:$0x3F9C];
	s0 =	simm.s32 @p1 $0x1  }
0x15: {  	[smem:$0x3FB9] =	sst s0;
	s0 =	simm.s32 @!p2 $0x0  }
0x16: {  	s3 =	sld [smem:$0x3FDB];
	s0 =	simm.s32 @p2 $0x1  }
0x17: {  	s4 =	simm.s32 $0x1BF5;
	[smem:$0x3FBB] =	sst s0  }
0x18: {  	s0 =	sld [smem:$0x3F9E];
	_ =	swait.ge [sflag:s4], $0x0  }
0x19: {  	s7 =	sld [smem:$0x3F9F]  }
0x1a: {  	s8 =	sadd.s32 $0xFFFFE003, lr  }
0x1b: {  	s9 =	sadd.s32 $0xFFFFFEF7, lr;
	s5 =	simm.s32 $0xFFFFFFFF;
	p2 =	slt.u32 s8, $0xFFFFF086  }
0x1c: {  	p1 =	slt.u32 s9, $0xF7A;
	s5 =	simm.s32 @!p2 $0x0  }
0x1d: {  	s5 =	simm.s32 @p1 $0x1;
	p0 =	seq.s32 s7, s2  }
0x1e: {  	s7 =	smul.u32 @!p0 $0xF7A, s2;
	p2 =	seq.s32 @!p0 s5, $0x0  }
0x1f: {  	s9 =	smul.u32 $0xF7A, s1;
	s8 =	simm.s32 @!p0 $0x1BF5;
	p2 =	por !p2, p0  }
0x20: {  	[sflag:s8] =	ssyncset.s32 @!p0 $0xFFFFF086;
	s6 =	sadd.s32 @!p0 s3, s7;
	s7 =	simm.s32 @!p0 $0x108  }
0x21: {  	s3 =	sadd.s32 s3, s9;
	s6 =	sadd.s32 @!p0 $0x88, s6;
	s7 =	simm.s32 @p2 $0x1082  }
0x22: {  	[simem:s7], [sflag:s8] =	dma.local @!p0 [hbm:s6], $0xF7A  }
0x23: {  	s9 =	sor.u32 $0xD0000000, s2;
	s6 =	simm.s32 $0x108;
	_ =	swait.ge @!p0 [sflag:s8], $0x0  }
0x24: {  	s3 =	sadd.s32 $0x88, s3;
	s6 =	simm.s32 @!p1 $0x1082;
	[sflag:s4] =	ssyncset.s32 $0xFFFFF086  }
0x25: {  	[simem:s6], [sflag:s4] =	dma.local [hbm:s3], $0xF7A  }
0x26: {  	[smem:$0x3F9F] =	sst s1;
	(tag) =	ssettag s2;
	_ =	strace s9  }
0x27: {  	s1 =	sld [smem:$0x3FAF]  }
0x28: {  	s2 =	sld [smem:$0x3FB0]  }
0x29: {  	s4 =	sld [smem:$0x3FB2]  }
0x2a: {  	p0 =	seq.s32 s5, $0x0;
	s5 =	sld [smem:$0x3FB3]  }
0x2b: {  	s6 =	sld [smem:$0x3FB4]  }
0x2c: {  	s7 =	sld [smem:$0x3FB5]  }
0x2d: {  	s3 =	simm.s32 $0x108;
	s8 =	sld [smem:$0x3FB6]  }
0x2e: {  	s3 =	simm.s32 @!p0 $0x1082;
	s9 =	sld [smem:$0x3FB7]  }
0x2f: {  	lr =	sadd.s32 s0, s3;
	s0 =	sld [smem:$0x3FAE]  }
0x30: {  	s3 =	sld [smem:$0x3FB1]  }
0x31: {  	[smem:$0x3FBA] =	sst s10  }
0x32: {  	s10 =	sld [smem:$0x3FB8];
	_ =	sdelay $0x3  }
0x33: {  	p0 =	seq.s32 s10, $0x1;
	s10 =	sld [smem:$0x3FBA];
	_ =	sdelay $0x3  }
0x34: {  	[smem:$0x3FBA] =	sst s10  }
0x35: {  	s10 =	sld [smem:$0x3FB9];
	_ =	sdelay $0x3  }
0x36: {  	p1 =	seq.s32 s10, $0x1;
	s10 =	sld [smem:$0x3FBA];
	_ =	sdelay $0x3  }
0x37: {  	[smem:$0x3FBA] =	sst s10  }
0x38: {  	s10 =	sld [smem:$0x3FBB]  }
0x39: {  	_ = 	snop;
	(pc) =	sbr.ind lr, $3  }
0x3a: {  	_ = 	snop  }
0x3b: {  	_ = 	snop  }
0x3c: {  	p2 =	seq.s32 s10, $0x1;
	s10 =	sld [smem:$0x3FBA]  }
0x3d: {  	_ =	shalt  }
0x3e: {  	_ =	shalt  }
0x3f: {  	_ =	shalt  }
0x40: {  	_ =	shalt  }
0x41: {  	_ =	shalt  }
0x42: {  	_ =	shalt  }
0x43: {  	_ =	shalt  }
0x44: {  	_ =	shalt  }
0x45: {  	_ =	shalt  }
0x46: {  	_ =	shalt  }
0x47: {  	_ =	shalt  }
0x48: {  	_ =	shalt  }
0x49: {  	_ =	shalt  }
0x4a: {  	_ =	shalt  }
0x4b: {  	_ =	shalt  }
0x4c: {  	_ =	shalt  }
0x4d: {  	_ =	shalt  }
0x4e: {  	_ =	shalt  }
0x4f: {  	_ =	shalt  }
0x50: {  	_ =	shalt  }
0x51: {  	_ =	shalt  }
0x52: {  	_ =	shalt  }
0x53: {  	_ =	shalt  }
0x54: {  	_ =	shalt  }
0x55: {  	_ =	shalt  }
0x56: {  	_ =	shalt  }
0x57: {  	_ =	shalt  }
0x58: {  	_ =	shalt  }
0x59: {  	_ =	shalt  }
0x5a: {  	_ =	shalt  }
0x5b: {  	_ =	shalt  }
0x5c: {  	_ =	shalt  }
0x5d: {  	_ =	shalt  }
0x5e: {  	_ =	shalt  }
0x5f: {  	_ =	shalt  }
0x60: {  	_ =	shalt  }
0x61: {  	_ =	shalt  }
0x62: {  	_ =	shalt  }
0x63: {  	_ =	shalt  }
0x64: {  	_ =	shalt  }
0x65: {  	_ =	shalt  }
0x66: {  	_ =	shalt  }
0x67: {  	_ =	shalt  }
0x68: {  	_ =	shalt  }
0x69: {  	_ =	shalt  }
0x6a: {  	_ =	shalt  }
0x6b: {  	_ =	shalt  }
0x6c: {  	_ =	shalt  }
0x6d: {  	_ =	shalt  }
0x6e: {  	_ =	shalt  }
0x6f: {  	_ =	shalt  }
0x70: {  	_ =	shalt  }
0x71: {  	_ =	shalt  }
0x72: {  	_ =	shalt  }
0x73: {  	_ =	shalt  }
0x74: {  	_ =	shalt  }
0x75: {  	_ =	shalt  }
0x76: {  	_ =	shalt  }
0x77: {  	_ =	shalt  }
0x78: {  	_ =	shalt  }
0x79: {  	_ =	shalt  }
0x7a: {  	_ =	shalt  }
0x7b: {  	_ =	shalt  }
0x7c: {  	_ =	shalt  }
0x7d: {  	_ =	shalt  }
0x7e: {  	_ =	shalt  }
0x7f: {  	_ =	shalt  }
0x80: {  	_ =	shalt  }
0x81: {  	_ =	shalt  }
0x82: {  	_ =	shalt  }
0x83: {  	_ =	shalt  }
0x84: {  	_ =	shalt  }
0x85: {  	_ =	shalt  }
0x86: {  	_ =	shalt  }
0x87: {  	_ =	shalt  }
.Lfunc_end0:
.L_simem_size_0:
called_computation_lowered:
.L_overlay_start_0:
0x88: {  	s2 =	sld [smem:$0x3FD9]  }
0x89: {  	s3 =	sld [smem:$0x3FFE];
	_ =	sdelay $0x1  }
0x8a: {  	s1 =	srdreg.scid  }
0x8b: {  	s0 =	sand.u32 $0x1, s1  }
0x8c: {  	s18 =	sshll.u32 s0, $0xA;
	s2 =	sadd.s32 s3, s2  }
0x8d: {  	s2 =	sadd.s32 s2, s18  }
0x8e: {  	[smem:$0x3FC6] =	sst s2  }
0x8f: {  	_ = 	snop  }
0x90: {  	s2 =	sld [smem:$0x3FC9]  }
0x91: {  	s19 =	sld [smem:$0x3FC8]  }
0x92: {  	s4 =	sld [smem:$0x3FD0];
	(tm) =	ssettm $0x1  }
0x93: {  	s5 =	sld [smem:$0x3FFB];
	_ =	sdelay $0x3  }
0x94: {  	_ =	strace s5  }
0x95: {  	s5 =	sld [smem:$0x3FFC];
	_ =	sdelay $0x3  }
0x96: {  	_ =	strace s5  }
0x97: {  	s5 =	sld [smem:$0x3FFD];
	_ =	sdelay $0x3  }
0x98: {  	_ =	strace s5  }
0x99: {  	_ =	strace $0x8FFFFFFF  }
0x9a: {  	s20 =	sld [smem:$0x3FDB];
	_ =	sdelay $0x1  }
0x9b: {  	s6 =	simm.s32 $_scs_section_size  }
0x9c: {  	s7 =	simm.s32 $_size__tile_overlayer_lowered;
	s8 =	simm.s32 $_tile_overlayer_lowered  }
0x9d: {  	s23 =	simm.s32 $0x1BFF;
	s22 =	sshll.u32 s8, $0x1;
	s5 =	sadd.s32 s6, s20  }
0x9e: {  	s9 =	simm.s32 $0x0;
	s21 =	sshll.u32 s7, $0x1;
	s7 =	sadd.s32 s22, s5  }
0x9f: {  	[timem:s9], [sflag:s23] =	dma.local [hbm:s7], s21  }
0xa0: {  	_ =	swait.ge [sflag:s23], s21  }
0xa1: {  	s6 =	ssub.s32 $0x0, s21;
	[sflag:s23] =	ssyncset.done $0x0  }
0xa2: {  	[sflag:s23] =	ssyncadd.s32 s6;
	_ =	sdelay $0x1  }
0xa3: {  	s24 =	simm.s32 $0x1B8B  }
0xa4: {  	_ =	swait.ge [sflag:s24], $0x1  }
0xa5: {  	[sflag:s24] =	ssyncset.done $0x0  }
0xa6: {  	s25 =	simm.s32 $0x1B8E;
	[sflag:s24] =	ssyncadd.s32 $0xFFFFFFFF  }
0xa7: {  	s26 =	simm.s32 $execute0_lowered;
	[smem:$0x3FD2] =	sst s25  }
0xa8: {  	s6 =	sshll.u32 s26, $0x1;
	_ =	strace $0x80000046;
	[dreg:$0x1] =	wrdreg $0xFFFFFFFF  }
0xa9: {  	s28 =	simm.s32 $_size_execute0_lowered;
	s5 =	sadd.s32 s5, s6;
	[dreg:$0x0] =	wrdreg $0x0  }
0xaa: {  	s6 =	sshll.u32 s28, $0x1;
	[dreg:$0x2] =	wrdreg s5  }
0xab: {  	[dreg:$0x3] =	wrdreg s6  }
0xac: {  	[dreg:$0x4] =	wrdreg $0xC0  }
0xad: {  	_ =	task [dreg:s9], $0x5FFFF  }
0xae: {  	[dreg:$0x1] =	wrdreg $0xFFFFFFFF  }
0xaf: {  	[dreg:$0x0] =	wrdreg $0x60  }
0xb0: {  	[dreg:$0x2] =	wrdreg s2  }
0xb1: {  	[dreg:$0x3] =	wrdreg s19  }
0xb2: {  	[dreg:$0x4] =	wrdreg s4  }
0xb3: {  	[dreg:$0x5] =	wrdreg $0x9  }
0xb4: {  	_ =	task.clear_ibuf [dreg:s9], $0x6FFFF;
	_ =	strace $0x90000046  }
0xb5: {  	s29 =	simm.s32 $0x9;
	_ =	strace $0x80000048  }
0xb6: {  	_ =	swait.ge [sflag:s29], $0x1  }
0xb7: {  	[sflag:s29] =	ssyncadd.s32 $0xFFFFFFFF  }
0xb8: {  	_ =	strace $0x90000048  }
0xb9: {  	_ =	sfence  }
0xba: {  	s30 =	sld [smem:$0x0];
	_ =	sdelay $0x2  }
0xbb: {  	s31 =	sshll.u32 s1, $0xD;
	s1 =	sshrl.u32 s1, $0x2  }
0xbc: {  	s3 =	sand.u32 $0x4000, s31;
	s1 =	sadd.s32 s1, s30  }
0xbd: {  	s0 =	sor.u32 s3, s0;
	s1 =	sshll.u32 s1, $0x11  }
0xbe: {  	s0 =	sor.u32 s1, s0  }
0xbf: {  	s0 =	sadd.s32 $0x8F2B, s0  }
0xc0: {  	[sflag:s0] =	ssyncadd.remote.s32 $0x1  }
0xc1: {  	_ =	sfence.sel $0xFFFF  }
0xc2: {  	[dreg:$0x0] =	wrdreg $0xFFFFFFFF;
	(pc) =	sbr.abs _section_cstart, $3  }
0xc3: {  	[dreg:$0x1] =	wrdreg $0xFFFFFFFF  }
0xc4: {  	_ =	task.clear_ibuf [dreg:s9], $0x2FFFF;
	_ =	strace $0x9FFFFFFF  }
0xc5: {  	(tm) =	ssettm $0x7FFFFFFF  }
tec
execute0_lowered:
.L_overlay_start_1:
0x0: {  	(tag) =	ssettag $0x1  }
0x1: {  	v0 =	vimm.s32 $0x1380  }
0x2: {  	vm14 =	vcmask $0x300;
	vm13 =	vcmask $0x704;
	vm12 =	vcmask $0xB08  }
0x3: {  	vm11 =	vcmask $0xF0C;
	vm10 =	vcmask $0x1310;
	vm9 =	vcmask $0x1714  }
0x4: {  	vm8 =	vcmask $0x1B18;
	vm7 =	vcmask $0x1F1C;
	vm6 =	vcmask $0x2320  }
0x5: {  	vm5 =	vcmask $0x2724;
	vm4 =	vcmask $0x2B28;
	vm3 =	vcmask $0x2F2C  }
0x6: {  	vm2 =	vcmask $0x3330;
	v1 =	vlaneseq.u32;
	vm1 =	vcmask $0x3734  }
0x7: {  	vm0 =	vcmask $0x3B38;
	v3 =	vimm.s32 $0x3380;
	v4 =	vimm.s32 $0x5380  }
0x8: {  	v5 =	vimm.s32 $0x7380;
	v0 =	vsel vm14, $0x0, v0;
	v3 =	vsel vm14, $0x2000, v3  }
0x9: {  	v4 =	vsel vm14, $0x4000, v4;
	v5 =	vsel vm14, $0x6000, v5;
	v0 =	vsel vm13, $0x80, v0  }
0xa: {  	v3 =	vsel vm13, $0x2080, v3;
	v4 =	vsel vm13, $0x4080, v4;
	v5 =	vsel vm13, $0x6080, v5  }
0xb: {  	v0 =	vsel vm12, $0x100, v0;
	v3 =	vsel vm12, $0x2100, v3;
	v4 =	vsel vm12, $0x4100, v4  }
0xc: {  	v5 =	vsel vm12, $0x6100, v5;
	v0 =	vsel vm11, $0x180, v0;
	v3 =	vsel vm11, $0x2180, v3  }
0xd: {  	v4 =	vsel vm11, $0x4180, v4;
	v5 =	vsel vm11, $0x6180, v5;
	v0 =	vsel vm10, $0x200, v0  }
0xe: {  	v3 =	vsel vm10, $0x2200, v3;
	v4 =	vsel vm10, $0x4200, v4;
	v5 =	vsel vm10, $0x6200, v5  }
0xf: {  	v0 =	vsel vm9, $0x280, v0;
	v3 =	vsel vm9, $0x2280, v3;
	v4 =	vsel vm9, $0x4280, v4  }
0x10: {  	v5 =	vsel vm9, $0x6280, v5;
	v0 =	vsel vm8, $0x300, v0;
	v3 =	vsel vm8, $0x2300, v3  }
0x11: {  	v4 =	vsel vm8, $0x4300, v4;
	v5 =	vsel vm8, $0x6300, v5;
	v0 =	vsel vm7, $0x380, v0  }
0x12: {  	v3 =	vsel vm7, $0x2380, v3;
	v4 =	vsel vm7, $0x4380, v4;
	v5 =	vsel vm7, $0x6380, v5  }
0x13: {  	v0 =	vsel vm6, $0x1000, v0;
	v3 =	vsel vm6, $0x3000, v3;
	v4 =	vsel vm6, $0x5000, v4  }
0x14: {  	v5 =	vsel vm6, $0x7000, v5;
	v0 =	vsel vm5, $0x1080, v0;
	v3 =	vsel vm5, $0x3080, v3  }
0x15: {  	v4 =	vsel vm5, $0x5080, v4;
	v5 =	vsel vm5, $0x7080, v5;
	v0 =	vsel vm4, $0x1100, v0  }
0x16: {  	v3 =	vsel vm4, $0x3100, v3;
	v4 =	vsel vm4, $0x5100, v4;
	v5 =	vsel vm4, $0x7100, v5  }
0x17: {  	v0 =	vsel vm3, $0x1180, v0;
	v3 =	vsel vm3, $0x3180, v3;
	v4 =	vsel vm3, $0x5180, v4  }
0x18: {  	v5 =	vsel vm3, $0x7180, v5;
	v2 =	vsel vm2, $0x1200, v0;
	v0 =	vmul.u32 $0x80, v1  }
0x19: {  	s1 =	rddreg [dreg:$0x0];
	v3 =	vsel vm2, $0x3200, v3;
	v4 =	vsel vm2, $0x5200, v4;
	v7 =	vsel vm2, $0x7200, v5  }
0x1a: {  	s0 =	rddreg [dreg:$0x1];
	v1 =	vsel vm1, $0x1280, v2;
	v3 =	vsel vm1, $0x3280, v3;
	v6 =	vsel vm1, $0x5280, v4  }
0x1b: {  	s2 =	rddreg [dreg:$0x2];
	v7 =	vsel vm1, $0x7280, v7;
	v1 =	vsel vm0, $0x1300, v1;
	v2 =	vor.u32 $0x800, v0  }
0x1c: {  	s3 =	srdreg.scid;
	s4 =	stileid.u32;
	v3 =	vsel vm0, $0x3300, v3;
	v4 =	vor.u32 $0x1000, v0;
	v5 =	vsel vm0, $0x5300, v6  }
0x1d: {  	s6 =	simm.s32 $0x0;
	s7 =	simm.s32 $0x3;
	s8 =	simm.s32 $0x7A1400;
	v6 =	vor.u32 $0x1800, v0;
	v7 =	vsel vm0, $0x7300, v7;
	v8 =	vor.u32 $0x2000, v0  }
0x1e: {  	s9 =	simm.s32 $0x400;
	s10 =	simm.s32 $0x200;
	s11 =	simm.s32 $0x2200;
	v9 =	vor.u32 $0x2800, v0;
	v10 =	vor.u32 $0x3000, v0;
	v11 =	vor.u32 $0x3800, v0  }
0x1f: {  	s12 =	simm.s32 $0x4200;
	s13 =	simm.s32 $0x6200;
	s14 =	simm.s32 $0x8200;
	v12 =	vor.u32 $0x4000, v0;
	v13 =	vor.u32 $0x4800, v0;
	v14 =	vor.u32 $0x5000, v0  }
0x20: {  	s15 =	simm.s32 $0xA200;
	s16 =	simm.s32 $0xC200;
	s17 =	simm.s32 $0xE200;
	v15 =	vor.u32 $0x5800, v0;
	v16 =	vor.u32 $0x6000, v0;
	v17 =	vor.u32 $0x6800, v0  }
0x21: {  	s18 =	simm.s32 $0x1;
	s19 =	simm.s32 $0x10200;
	s20 =	simm.s32 $0x2;
	v18 =	vor.u32 $0x7000, v0;
	v19 =	vor.u32 $0x7800, v0;
	v20 =	vor.u32 $0x8000, v0  }
0x22: {  	s22 =	simm.s32 $0x20000;
	s23 =	simm.s32 $0x0;
	s3 =	sand.u32 $0x1, s3;
	v21 =	vor.u32 $0x8800, v0;
	v22 =	vor.u32 $0x9000, v0;
	v23 =	vor.u32 $0x9800, v0  }
0x23: {  	s4 =	sshll.u32 s4, $0xA;
	s5 =	sshll.u32 s3, $0x9;
	s3 =	ssub.s32 $0x2, s3;
	v24 =	vor.u32 $0xA000, v0;
	v25 =	vor.u32 $0xA800, v0;
	v26 =	vor.u32 $0xB000, v0  }
0x24: {  	[smem:$0x7FF] =	sst s6;
	s5 =	sor.u32 s5, s4;
	s30 =	sshrl.u32 s3, $0x1;
	v27 =	vor.u32 $0xB800, v0;
	v28 =	vor.u32 $0xC000, v0;
	v29 =	vor.u32 $0xC800, v0  }
0x25: {  	_ =	strace $0x80000047;
	s31 =	sshrl.u32 s5, $0x3;
	s3 =	ssub.s32 s3, s30;
	v30 =	vor.u32 $0xD000, v0;
	v31 =	vor.u32 $0xD800, v0;
	v32 =	vor.u32 $0xE000, v0  }
0x26: {  	s5 =	sadd.s32 s2, s5;
	s4 =	sadd.s32 s1, s31;
	s6 =	smax.u32 s3, $0x1;
	v33 =	vor.u32 $0xE800, v0;
	v34 =	vor.u32 $0xF000, v0;
	v35 =	vor.u32 $0xF800, v0  }
.LBB2_1:
0x27: {  	s1 =	simm.s32 $0x0  }
0x28: {  	[tilespmem:s1], [sflag:$0x3] =	stream.linear.gather [hbm4b:s4+s1], $0x200, $0x38;
	[tilespmem:$0x18200] =	vst v63  }
0x29: {  	_ =	swait.ge [sflag:s7], $0x200  }
0x2a: {  	[sflag:s7] =	ssyncset.done $0x0  }
0x2b: {  	s24 =	simm.s32 $0xF;
	s25 =	simm.s32 $0x0;
	[sflag:s7] =	ssyncadd.s32 $0xFFFFFE00  }
.LBB2_2:
0x2c: {  	v36 =	vld [tilespmem:s25+$0x0];
	_ =	sdelay $0x4  }
0x2d: {  	(v2sf) =	vpush v36, $0x0  }
0x2e: {  	(v2sf) =	vpush v36, $0x1;
	_ =	sdelay $0x1  }
0x2f: {  	(v2sf) =	vpush v36, $0x2;
	_ =	sdelay $0x5  }
0x30: {  	(v2sf) =	vpush v36, $0x3;
	_ =	sdelay $0x5  }
0x31: {  	s30 =	spop (v2sf);
	(v2sf) =	vpush v36, $0x4  }
0x32: {  	s28 =	spop (v2sf);
	(v2sf) =	vpush v36, $0x5  }
0x33: {  	s1 =	sand.u32 $0xFFFFF80, s30  }
0x34: {  	s1 =	sadd.s32 s0, s1;
	s21 =	sand.u32 $0xFFFFF80, s28;
	s2 =	spop (v2sf)  }
0x35: {  	(v2sf) =	vpush v36, $0x6;
	[tilespmem:s10], [sflag:$0x1] =	stream.strided.gather [hbm4b:s1+s9], $0x2000, s8, s9, $0x38;
	[tilespmem:$0x18200] =	vst v63  }
0x36: {  	s1 =	sadd.s32 s0, s21;
	s26 =	sand.u32 $0xFFFFF80, s2  }
0x37: {  	[tilespmem:s11], [sflag:$0x1] =	stream.strided.gather [hbm4b:s1+s9], $0x2000, s8, s9, $0x38;
	[tilespmem:$0x18200] =	vst v63  }
0x38: {  	s1 =	sadd.s32 s0, s26  }
0x39: {  	[tilespmem:s12], [sflag:$0x1] =	stream.strided.gather [hbm4b:s1+s9], $0x2000, s8, s9, $0x38;
	[tilespmem:$0x18200] =	vst v63  }
0x3a: {  	s1 =	spop (v2sf);
	(v2sf) =	vpush v36, $0x7;
	_ =	sdelay $0x2  }
0x3b: {  	s3 =	sand.u32 $0xFFFFF80, s1  }
0x3c: {  	s3 =	sadd.s32 s0, s3  }
0x3d: {  	[tilespmem:s13], [sflag:$0x1] =	stream.strided.gather [hbm4b:s3+s9], $0x2000, s8, s9, $0x38;
	[tilespmem:$0x18200] =	vst v63  }
0x3e: {  	s3 =	spop (v2sf)  }
0x3f: {  	s26 =	sand.u32 $0xFFFFF80, s3;
	s31 =	spop (v2sf)  }
0x40: {  	s26 =	sadd.s32 s0, s26;
	s29 =	sand.u32 $0xFFFFF80, s31  }
0x41: {  	[tilespmem:s14], [sflag:$0x2] =	stream.strided.gather [hbm4b:s26+s9], $0x2000, s8, s9, $0x38;
	[tilespmem:$0x18200] =	vst v63  }
0x42: {  	s26 =	sadd.s32 s0, s29;
	s29 =	spop (v2sf)  }
0x43: {  	s21 =	sand.u32 $0xFFFFF80, s29  }
0x44: {  	[tilespmem:s15], [sflag:$0x2] =	stream.strided.gather [hbm4b:s26+s9], $0x2000, s8, s9, $0x38;
	[tilespmem:$0x18200] =	vst v63  }
0x45: {  	s26 =	sadd.s32 s0, s21  }
0x46: {  	[tilespmem:s16], [sflag:$0x2] =	stream.strided.gather [hbm4b:s26+s9], $0x2000, s8, s9, $0x38;
	[tilespmem:$0x18200] =	vst v63  }
0x47: {  	s26 =	spop (v2sf)  }
0x48: {  	s21 =	sand.u32 $0xFFFFF80, s26  }
0x49: {  	s21 =	sadd.s32 s0, s21  }
0x4a: {  	[tilespmem:s17], [sflag:$0x2] =	stream.strided.gather [hbm4b:s21+s9], $0x2000, s8, s9, $0x38;
	[tilespmem:$0x18200] =	vst v63  }
0x4b: {  	_ =	swait.ge [sflag:s18], $0x2000  }
0x4c: {  	[sflag:s18] =	ssyncset.done $0x0  }
0x4d: {  	[sflag:s18] =	ssyncadd.s32 $0xFFFFE000  }
0x4e: {  	_ =	swait.ge [sflag:s18], $0x2000  }
0x4f: {  	[sflag:s18] =	ssyncset.done $0x0  }
0x50: {  	[sflag:s18] =	ssyncadd.s32 $0xFFFFE000  }
0x51: {  	s21 =	sand.u32 $0x7F, s30;
	_ =	swait.ge [sflag:s18], $0x2000  }
0x52: {  	s30 =	sadd.s32 $0xFFFFFFF1, s24;
	v37 =	vor.u32 s21, v0;
	[sflag:s18] =	ssyncset.done $0x0  }
0x53: {  	v38 =	vmov s30;
	[sflag:s18] =	ssyncadd.s32 $0xFFFFE000  }
0x54: {  	v39 =	vshll.u32 v38, $0x3;
	_ =	swait.ge [sflag:s18], $0x2000  }
0x55: {  	v38 =	vand.u32 $0x70, v38;
	v39 =	vand.u32 $0xC00, v39;
	[sflag:s18] =	ssyncset.done $0x0  }
0x56: {  	v38 =	vor.u32 v38, v39;
	[sflag:s18] =	ssyncadd.s32 $0xFFFFE000  }
0x57: {  	v39 =	vor.u32 v1, v38;
	v37 =	vld.idx.msk [tilespmem:v37+s10+$0x0], $0xffff  }
0x58: {  	v40 =	vor.u32 s21, v2;
	_ =	sdelay $0x3  }
0x59: {  	[tilespmem:v39+s19+$0x0] =	vst.idx.msk $0xffff, v37  }
0x5a: {  	v61 =	vor.u32 v3, v38;
	v37 =	vld.idx.msk [tilespmem:v40+s10+$0x0], $0xffff  }
0x5b: {  	v62 =	vor.u32 s21, v4;
	_ =	sdelay $0x3  }
0x5c: {  	[tilespmem:v61+s19+$0x0] =	vst.idx.msk $0xffff, v37  }
0x5d: {  	v63 =	vor.u32 v5, v38;
	v37 =	vld.idx.msk [tilespmem:v62+s10+$0x0], $0xffff  }
0x5e: {  	v44 =	vor.u32 s21, v6;
	_ =	sdelay $0x3  }
0x5f: {  	[tilespmem:v63+s19+$0x0] =	vst.idx.msk $0xffff, v37  }
0x60: {  	s21 =	sand.u32 $0x7F, s28;
	v38 =	vor.u32 v7, v38;
	v37 =	vld.idx.msk [tilespmem:v44+s10+$0x0], $0xffff  }
0x61: {  	s30 =	sadd.s32 $0xFFFFFFF2, s24;
	v45 =	vor.u32 s21, v8  }
0x62: {  	v46 =	vmov s30  }
0x63: {  	v41 =	vshll.u32 v46, $0x3  }
0x64: {  	v41 =	vand.u32 $0xC00, v41;
	v40 =	vand.u32 $0x71, v46  }
0x65: {  	v47 =	vor.u32 v40, v41;
	[tilespmem:v38+s19+$0x0] =	vst.idx.msk $0xffff, v37  }
0x66: {  	v48 =	vor.u32 v1, v47;
	v38 =	vld.idx.msk [tilespmem:v45+s10+$0x0], $0xffff  }
0x67: {  	v49 =	vor.u32 s21, v9;
	_ =	sdelay $0x3  }
0x68: {  	[tilespmem:v48+s19+$0x0] =	vst.idx.msk $0xffff, v38  }
0x69: {  	v50 =	vor.u32 v3, v47;
	v38 =	vld.idx.msk [tilespmem:v49+s10+$0x0], $0xffff  }
0x6a: {  	v51 =	vor.u32 s21, v10;
	_ =	sdelay $0x3  }
0x6b: {  	[tilespmem:v50+s19+$0x0] =	vst.idx.msk $0xffff, v38  }
0x6c: {  	v52 =	vor.u32 v5, v47;
	v38 =	vld.idx.msk [tilespmem:v51+s10+$0x0], $0xffff  }
0x6d: {  	v53 =	vor.u32 s21, v11;
	_ =	sdelay $0x3  }
0x6e: {  	[tilespmem:v52+s19+$0x0] =	vst.idx.msk $0xffff, v38  }
0x6f: {  	s2 =	sand.u32 $0x7F, s2;
	v37 =	vor.u32 v7, v47;
	v38 =	vld.idx.msk [tilespmem:v53+s10+$0x0], $0xffff  }
0x70: {  	v54 =	vor.u32 s2, v12;
	s30 =	sadd.s32 $0xFFFFFFF3, s24  }
0x71: {  	v55 =	vmov s30  }
0x72: {  	v56 =	vshll.u32 v55, $0x3  }
0x73: {  	v40 =	vand.u32 $0x72, v55;
	v41 =	vand.u32 $0xC00, v56  }
0x74: {  	v57 =	vor.u32 v40, v41;
	[tilespmem:v37+s19+$0x0] =	vst.idx.msk $0xffff, v38  }
0x75: {  	v58 =	vor.u32 v1, v57;
	v38 =	vld.idx.msk [tilespmem:v54+s10+$0x0], $0xffff  }
0x76: {  	v59 =	vor.u32 s2, v13;
	_ =	sdelay $0x3  }
0x77: {  	[tilespmem:v58+s19+$0x0] =	vst.idx.msk $0xffff, v38  }
0x78: {  	v60 =	vor.u32 v3, v57;
	v38 =	vld.idx.msk [tilespmem:v59+s10+$0x0], $0xffff  }
0x79: {  	v61 =	vor.u32 s2, v14;
	_ =	sdelay $0x3  }
0x7a: {  	[tilespmem:v60+s19+$0x0] =	vst.idx.msk $0xffff, v38  }
0x7b: {  	v62 =	vor.u32 v5, v57;
	v38 =	vld.idx.msk [tilespmem:v61+s10+$0x0], $0xffff  }
0x7c: {  	v63 =	vor.u32 s2, v15;
	_ =	sdelay $0x3  }
0x7d: {  	[tilespmem:v62+s19+$0x0] =	vst.idx.msk $0xffff, v38  }
0x7e: {  	s1 =	sand.u32 $0x7F, s1;
	v37 =	vor.u32 v7, v57;
	v38 =	vld.idx.msk [tilespmem:v63+s10+$0x0], $0xffff  }
0x7f: {  	s21 =	sadd.s32 $0xFFFFFFF4, s24;
	v44 =	vor.u32 s1, v16  }
0x80: {  	v45 =	vmov s21  }
0x81: {  	v46 =	vshll.u32 v45, $0x3  }
0x82: {  	v40 =	vand.u32 $0x73, v45;
	v41 =	vand.u32 $0xC00, v46  }
0x83: {  	v47 =	vor.u32 v40, v41;
	[tilespmem:v37+s19+$0x0] =	vst.idx.msk $0xffff, v38  }
0x84: {  	v48 =	vor.u32 v1, v47;
	v38 =	vld.idx.msk [tilespmem:v44+s10+$0x0], $0xffff  }
0x85: {  	v49 =	vor.u32 s1, v17;
	_ =	sdelay $0x3  }
0x86: {  	[tilespmem:v48+s19+$0x0] =	vst.idx.msk $0xffff, v38  }
0x87: {  	(v2sf) =	vpush v36, $0x8;
	v50 =	vor.u32 v3, v47;
	v38 =	vld.idx.msk [tilespmem:v49+s10+$0x0], $0xffff  }
0x88: {  	v51 =	vor.u32 s1, v18;
	_ =	sdelay $0x2  }
0x89: {  	(v2sf) =	vpush v36, $0x9  }
0x8a: {  	[tilespmem:v50+s19+$0x0] =	vst.idx.msk $0xffff, v38  }
0x8b: {  	(v2sf) =	vpush v36, $0xA;
	v52 =	vor.u32 v5, v47;
	v38 =	vld.idx.msk [tilespmem:v51+s10+$0x0], $0xffff  }
0x8c: {  	v53 =	vor.u32 s1, v19;
	_ =	sdelay $0x1  }
0x8d: {  	(v2sf) =	vpush v36, $0xB;
	_ =	sdelay $0x1  }
0x8e: {  	[tilespmem:v52+s19+$0x0] =	vst.idx.msk $0xffff, v38  }
0x8f: {  	v37 =	vor.u32 v7, v47;
	v38 =	vld.idx.msk [tilespmem:v53+s10+$0x0], $0xffff;
	_ =	sdelay $0x2  }
0x90: {  	s2 =	spop (v2sf)  }
0x91: {  	s28 =	sand.u32 $0xFFFFF80, s2  }
0x92: {  	s1 =	sadd.s32 s0, s28;
	[tilespmem:v37+s19+$0x0] =	vst.idx.msk $0xffff, v38  }
0x93: {  	[tilespmem:s10], [sflag:$0x1] =	stream.strided.gather [hbm4b:s1+s9], $0x2000, s8, s9, $0x38;
	[tilespmem:$0x18200] =	vst v63  }
0x94: {  	s1 =	spop (v2sf)  }
0x95: {  	s30 =	sand.u32 $0xFFFFF80, s1  }
0x96: {  	s21 =	sadd.s32 s0, s30;
	s30 =	spop (v2sf)  }
0x97: {  	[tilespmem:s11], [sflag:$0x1] =	stream.strided.gather [hbm4b:s21+s9], $0x2000, s8, s9, $0x38;
	[tilespmem:$0x18200] =	vst v63  }
0x98: {  	s28 =	sand.u32 $0xFFFFF80, s30  }
0x99: {  	s21 =	sadd.s32 s0, s28;
	s28 =	spop (v2sf)  }
0x9a: {  	[tilespmem:s12], [sflag:$0x1] =	stream.strided.gather [hbm4b:s21+s9], $0x2000, s8, s9, $0x38;
	[tilespmem:$0x18200] =	vst v63  }
0x9b: {  	s21 =	sand.u32 $0xFFFFF80, s28  }
0x9c: {  	s21 =	sadd.s32 s0, s21  }
0x9d: {  	[tilespmem:s13], [sflag:$0x1] =	stream.strided.gather [hbm4b:s21+s9], $0x2000, s8, s9, $0x38;
	[tilespmem:$0x18200] =	vst v63  }
0x9e: {  	_ =	swait.ge [sflag:s20], $0x2000  }
0x9f: {  	[sflag:s20] =	ssyncset.done $0x0  }
0xa0: {  	[sflag:s20] =	ssyncadd.s32 $0xFFFFE000  }
0xa1: {  	_ =	swait.ge [sflag:s20], $0x2000  }
0xa2: {  	[sflag:s20] =	ssyncset.done $0x0  }
0xa3: {  	[sflag:s20] =	ssyncadd.s32 $0xFFFFE000  }
0xa4: {  	s3 =	sand.u32 $0x7F, s3;
	_ =	swait.ge [sflag:s20], $0x2000  }
0xa5: {  	v54 =	vor.u32 s3, v20;
	s21 =	sadd.s32 $0xFFFFFFF5, s24;
	[sflag:s20] =	ssyncset.done $0x0  }
0xa6: {  	v55 =	vmov s21;
	[sflag:s20] =	ssyncadd.s32 $0xFFFFE000  }
0xa7: {  	v56 =	vshll.u32 v55, $0x3;
	_ =	swait.ge [sflag:s20], $0x2000  }
0xa8: {  	v38 =	vand.u32 $0x74, v55;
	v39 =	vand.u32 $0xC00, v56;
	[sflag:s20] =	ssyncset.done $0x0  }
0xa9: {  	v38 =	vor.u32 v38, v39;
	[sflag:s20] =	ssyncadd.s32 $0xFFFFE000  }
0xaa: {  	v39 =	vor.u32 v1, v38;
	v37 =	vld.idx.msk [tilespmem:v54+s10+$0x0], $0xffff  }
0xab: {  	v57 =	vor.u32 s3, v21;
	_ =	sdelay $0x3  }
0xac: {  	[tilespmem:v39+s19+$0x0] =	vst.idx.msk $0xffff, v37  }
0xad: {  	v58 =	vor.u32 v3, v38;
	v37 =	vld.idx.msk [tilespmem:v57+s10+$0x0], $0xffff  }
0xae: {  	v59 =	vor.u32 s3, v22;
	_ =	sdelay $0x3  }
0xaf: {  	[tilespmem:v58+s19+$0x0] =	vst.idx.msk $0xffff, v37  }
0xb0: {  	v60 =	vor.u32 v5, v38;
	v37 =	vld.idx.msk [tilespmem:v59+s10+$0x0], $0xffff  }
0xb1: {  	v61 =	vor.u32 s3, v23;
	_ =	sdelay $0x3  }
0xb2: {  	[tilespmem:v60+s19+$0x0] =	vst.idx.msk $0xffff, v37  }
0xb3: {  	s3 =	sand.u32 $0x7F, s31;
	v38 =	vor.u32 v7, v38;
	v37 =	vld.idx.msk [tilespmem:v61+s10+$0x0], $0xffff  }
0xb4: {  	s31 =	sadd.s32 $0xFFFFFFF6, s24;
	v62 =	vor.u32 s3, v24  }
0xb5: {  	v63 =	vmov s31  }
0xb6: {  	v44 =	vshll.u32 v63, $0x3  }
0xb7: {  	v40 =	vand.u32 $0x75, v63;
	v41 =	vand.u32 $0xC00, v44  }
0xb8: {  	v45 =	vor.u32 v40, v41;
	[tilespmem:v38+s19+$0x0] =	vst.idx.msk $0xffff, v37  }
0xb9: {  	v46 =	vor.u32 v1, v45;
	v38 =	vld.idx.msk [tilespmem:v62+s10+$0x0], $0xffff  }
0xba: {  	v47 =	vor.u32 s3, v25;
	_ =	sdelay $0x3  }
0xbb: {  	[tilespmem:v46+s19+$0x0] =	vst.idx.msk $0xffff, v38  }
0xbc: {  	v48 =	vor.u32 v3, v45;
	v38 =	vld.idx.msk [tilespmem:v47+s10+$0x0], $0xffff  }
0xbd: {  	v49 =	vor.u32 s3, v26;
	_ =	sdelay $0x3  }
0xbe: {  	[tilespmem:v48+s19+$0x0] =	vst.idx.msk $0xffff, v38  }
0xbf: {  	v50 =	vor.u32 v5, v45;
	v38 =	vld.idx.msk [tilespmem:v49+s10+$0x0], $0xffff  }
0xc0: {  	v51 =	vor.u32 s3, v27;
	_ =	sdelay $0x3  }
0xc1: {  	[tilespmem:v50+s19+$0x0] =	vst.idx.msk $0xffff, v38  }
0xc2: {  	s31 =	sand.u32 $0x7F, s29;
	v37 =	vor.u32 v7, v45;
	v38 =	vld.idx.msk [tilespmem:v51+s10+$0x0], $0xffff  }
0xc3: {  	s29 =	sadd.s32 $0xFFFFFFF7, s24;
	v52 =	vor.u32 s31, v28  }
0xc4: {  	v53 =	vmov s29  }
0xc5: {  	v54 =	vshll.u32 v53, $0x3  }
0xc6: {  	v40 =	vand.u32 $0x76, v53;
	v41 =	vand.u32 $0xC00, v54  }
0xc7: {  	v55 =	vor.u32 v40, v41;
	[tilespmem:v37+s19+$0x0] =	vst.idx.msk $0xffff, v38  }
0xc8: {  	v56 =	vor.u32 v1, v55;
	v38 =	vld.idx.msk [tilespmem:v52+s10+$0x0], $0xffff  }
0xc9: {  	v57 =	vor.u32 s31, v29;
	_ =	sdelay $0x3  }
0xca: {  	[tilespmem:v56+s19+$0x0] =	vst.idx.msk $0xffff, v38  }
0xcb: {  	v58 =	vor.u32 v3, v55;
	v38 =	vld.idx.msk [tilespmem:v57+s10+$0x0], $0xffff  }
0xcc: {  	v59 =	vor.u32 s31, v30;
	_ =	sdelay $0x3  }
0xcd: {  	[tilespmem:v58+s19+$0x0] =	vst.idx.msk $0xffff, v38  }
0xce: {  	v60 =	vor.u32 v5, v55;
	v38 =	vld.idx.msk [tilespmem:v59+s10+$0x0], $0xffff  }
0xcf: {  	v61 =	vor.u32 s31, v31;
	_ =	sdelay $0x3  }
0xd0: {  	[tilespmem:v60+s19+$0x0] =	vst.idx.msk $0xffff, v38  }
0xd1: {  	s31 =	sand.u32 $0x7F, s26;
	v37 =	vor.u32 v7, v55;
	v38 =	vld.idx.msk [tilespmem:v61+s10+$0x0], $0xffff  }
0xd2: {  	s26 =	sadd.s32 $0xFFFFFFF8, s24;
	v62 =	vor.u32 s31, v32  }
0xd3: {  	v63 =	vmov s26  }
0xd4: {  	v44 =	vshll.u32 v63, $0x3  }
0xd5: {  	v40 =	vand.u32 $0x77, v63;
	v41 =	vand.u32 $0xC00, v44  }
0xd6: {  	v45 =	vor.u32 v40, v41;
	[tilespmem:v37+s19+$0x0] =	vst.idx.msk $0xffff, v38  }
0xd7: {  	v46 =	vor.u32 v1, v45;
	v38 =	vld.idx.msk [tilespmem:v62+s10+$0x0], $0xffff  }
0xd8: {  	v47 =	vor.u32 s31, v33;
	_ =	sdelay $0x3  }
0xd9: {  	[tilespmem:v46+s19+$0x0] =	vst.idx.msk $0xffff, v38  }
0xda: {  	(v2sf) =	vpush v36, $0xC;
	v48 =	vor.u32 v3, v45;
	v38 =	vld.idx.msk [tilespmem:v47+s10+$0x0], $0xffff  }
0xdb: {  	(v2sf) =	vpush v36, $0xD;
	v49 =	vor.u32 s31, v34  }
0xdc: {  	(v2sf) =	vpush v36, $0xE;
	_ =	sdelay $0x2  }
0xdd: {  	[tilespmem:v48+s19+$0x0] =	vst.idx.msk $0xffff, v38  }
0xde: {  	(v2sf) =	vpush v36, $0xF;
	v50 =	vor.u32 v5, v45;
	v38 =	vld.idx.msk [tilespmem:v49+s10+$0x0], $0xffff  }
0xdf: {  	v51 =	vor.u32 s31, v35;
	_ =	sdelay $0x3  }
0xe0: {  	[tilespmem:v50+s19+$0x0] =	vst.idx.msk $0xffff, v38  }
0xe1: {  	v37 =	vor.u32 v7, v45;
	v52 =	vld.idx.msk [tilespmem:v51+s10+$0x0], $0xffff;
	_ =	sdelay $0x2  }
0xe2: {  	s3 =	spop (v2sf)  }
0xe3: {  	s29 =	sand.u32 $0xFFFFF80, s3;
	s31 =	spop (v2sf)  }
0xe4: {  	s21 =	sadd.s32 s0, s29;
	s26 =	sand.u32 $0xFFFFF80, s31;
	s29 =	spop (v2sf);
	[tilespmem:v37+s19+$0x0] =	vst.idx.msk $0xffff, v52  }
0xe5: {  	[tilespmem:s14], [sflag:$0x2] =	stream.strided.gather [hbm4b:s21+s9], $0x2000, s8, s9, $0x38;
	[tilespmem:$0x18200] =	vst v63  }
0xe6: {  	s21 =	sadd.s32 s0, s26;
	s26 =	sand.u32 $0xFFFFF80, s29  }
0xe7: {  	[tilespmem:s15], [sflag:$0x2] =	stream.strided.gather [hbm4b:s21+s9], $0x2000, s8, s9, $0x38;
	[tilespmem:$0x18200] =	vst v63  }
0xe8: {  	s21 =	sadd.s32 s0, s26;
	s26 =	spop (v2sf)  }
0xe9: {  	[tilespmem:s16], [sflag:$0x2] =	stream.strided.gather [hbm4b:s21+s9], $0x2000, s8, s9, $0x38;
	[tilespmem:$0x18200] =	vst v63  }
0xea: {  	s21 =	sand.u32 $0xFFFFF80, s26  }
0xeb: {  	s21 =	sadd.s32 s0, s21  }
0xec: {  	[tilespmem:s17], [sflag:$0x2] =	stream.strided.gather [hbm4b:s21+s9], $0x2000, s8, s9, $0x38;
	[tilespmem:$0x18200] =	vst v63  }
0xed: {  	_ =	swait.ge [sflag:s18], $0x2000  }
0xee: {  	[sflag:s18] =	ssyncset.done $0x0  }
0xef: {  	[sflag:s18] =	ssyncadd.s32 $0xFFFFE000  }
0xf0: {  	_ =	swait.ge [sflag:s18], $0x2000  }
0xf1: {  	[sflag:s18] =	ssyncset.done $0x0  }
0xf2: {  	[sflag:s18] =	ssyncadd.s32 $0xFFFFE000  }
0xf3: {  	s2 =	sand.u32 $0x7F, s2;
	_ =	swait.ge [sflag:s18], $0x2000  }
0xf4: {  	v53 =	vor.u32 s2, v0;
	s21 =	sadd.s32 $0xFFFFFFF9, s24;
	[sflag:s18] =	ssyncset.done $0x0  }
0xf5: {  	v54 =	vmov s21;
	[sflag:s18] =	ssyncadd.s32 $0xFFFFE000  }
0xf6: {  	v55 =	vshll.u32 v54, $0x3;
	_ =	swait.ge [sflag:s18], $0x2000  }
0xf7: {  	v37 =	vand.u32 $0x78, v54;
	v38 =	vand.u32 $0xC00, v55;
	[sflag:s18] =	ssyncset.done $0x0  }
0xf8: {  	v37 =	vor.u32 v37, v38;
	[sflag:s18] =	ssyncadd.s32 $0xFFFFE000  }
0xf9: {  	v38 =	vor.u32 v1, v37;
	v36 =	vld.idx.msk [tilespmem:v53+s10+$0x0], $0xffff  }
0xfa: {  	v56 =	vor.u32 s2, v2;
	_ =	sdelay $0x3  }
0xfb: {  	[tilespmem:v38+s19+$0x0] =	vst.idx.msk $0xffff, v36  }
0xfc: {  	v57 =	vor.u32 v3, v37;
	v36 =	vld.idx.msk [tilespmem:v56+s10+$0x0], $0xffff  }
0xfd: {  	v58 =	vor.u32 s2, v4;
	_ =	sdelay $0x3  }
0xfe: {  	[tilespmem:v57+s19+$0x0] =	vst.idx.msk $0xffff, v36  }
0xff: {  	v59 =	vor.u32 v5, v37;
	v36 =	vld.idx.msk [tilespmem:v58+s10+$0x0], $0xffff  }
0x100: {  	v60 =	vor.u32 s2, v6;
	_ =	sdelay $0x3  }
0x101: {  	[tilespmem:v59+s19+$0x0] =	vst.idx.msk $0xffff, v36  }
0x102: {  	s1 =	sand.u32 $0x7F, s1;
	v37 =	vor.u32 v7, v37;
	v36 =	vld.idx.msk [tilespmem:v60+s10+$0x0], $0xffff  }
0x103: {  	v61 =	vor.u32 s1, v8;
	s21 =	sadd.s32 $0xFFFFFFFA, s24  }
0x104: {  	v62 =	vmov s21  }
0x105: {  	v63 =	vshll.u32 v62, $0x3  }
0x106: {  	v39 =	vand.u32 $0x79, v62;
	v40 =	vand.u32 $0xC00, v63  }
0x107: {  	v43 =	vor.u32 v39, v40;
	[tilespmem:v37+s19+$0x0] =	vst.idx.msk $0xffff, v36  }
0x108: {  	v44 =	vor.u32 v1, v43;
	v37 =	vld.idx.msk [tilespmem:v61+s10+$0x0], $0xffff  }
0x109: {  	v45 =	vor.u32 s1, v9;
	_ =	sdelay $0x3  }
0x10a: {  	[tilespmem:v44+s19+$0x0] =	vst.idx.msk $0xffff, v37  }
0x10b: {  	v46 =	vor.u32 v3, v43;
	v37 =	vld.idx.msk [tilespmem:v45+s10+$0x0], $0xffff  }
0x10c: {  	v47 =	vor.u32 s1, v10;
	_ =	sdelay $0x3  }
0x10d: {  	[tilespmem:v46+s19+$0x0] =	vst.idx.msk $0xffff, v37  }
0x10e: {  	v48 =	vor.u32 v5, v43;
	v37 =	vld.idx.msk [tilespmem:v47+s10+$0x0], $0xffff  }
0x10f: {  	v49 =	vor.u32 s1, v11;
	_ =	sdelay $0x3  }
0x110: {  	[tilespmem:v48+s19+$0x0] =	vst.idx.msk $0xffff, v37  }
0x111: {  	s21 =	sand.u32 $0x7F, s30;
	v36 =	vor.u32 v7, v43;
	v37 =	vld.idx.msk [tilespmem:v49+s10+$0x0], $0xffff  }
0x112: {  	s30 =	sadd.s32 $0xFFFFFFFB, s24;
	v50 =	vor.u32 s21, v12  }
0x113: {  	v51 =	vmov s30  }
0x114: {  	v52 =	vshll.u32 v51, $0x3  }
0x115: {  	v39 =	vand.u32 $0x7A, v51;
	v40 =	vand.u32 $0xC00, v52  }
0x116: {  	v53 =	vor.u32 v39, v40;
	[tilespmem:v36+s19+$0x0] =	vst.idx.msk $0xffff, v37  }
0x117: {  	v54 =	vor.u32 v1, v53;
	v37 =	vld.idx.msk [tilespmem:v50+s10+$0x0], $0xffff  }
0x118: {  	v55 =	vor.u32 s21, v13;
	_ =	sdelay $0x3  }
0x119: {  	[tilespmem:v54+s19+$0x0] =	vst.idx.msk $0xffff, v37  }
0x11a: {  	v56 =	vor.u32 v3, v53;
	v37 =	vld.idx.msk [tilespmem:v55+s10+$0x0], $0xffff  }
0x11b: {  	v57 =	vor.u32 s21, v14;
	_ =	sdelay $0x3  }
0x11c: {  	[tilespmem:v56+s19+$0x0] =	vst.idx.msk $0xffff, v37  }
0x11d: {  	v58 =	vor.u32 v5, v53;
	v37 =	vld.idx.msk [tilespmem:v57+s10+$0x0], $0xffff  }
0x11e: {  	v59 =	vor.u32 s21, v15;
	_ =	sdelay $0x3  }
0x11f: {  	[tilespmem:v58+s19+$0x0] =	vst.idx.msk $0xffff, v37  }
0x120: {  	s21 =	sand.u32 $0x7F, s28;
	v36 =	vor.u32 v7, v53;
	v37 =	vld.idx.msk [tilespmem:v59+s10+$0x0], $0xffff  }
0x121: {  	s28 =	sadd.s32 $0xFFFFFFFC, s24;
	v60 =	vor.u32 s21, v16  }
0x122: {  	v61 =	vmov s28  }
0x123: {  	v62 =	vshll.u32 v61, $0x3  }
0x124: {  	v39 =	vand.u32 $0x7B, v61;
	v40 =	vand.u32 $0xC00, v62  }
0x125: {  	v63 =	vor.u32 v39, v40;
	[tilespmem:v36+s19+$0x0] =	vst.idx.msk $0xffff, v37  }
0x126: {  	v42 =	vor.u32 v1, v63;
	v37 =	vld.idx.msk [tilespmem:v60+s10+$0x0], $0xffff  }
0x127: {  	v43 =	vor.u32 s21, v17;
	_ =	sdelay $0x3  }
0x128: {  	[tilespmem:v42+s19+$0x0] =	vst.idx.msk $0xffff, v37  }
0x129: {  	v44 =	vor.u32 v3, v63;
	v37 =	vld.idx.msk [tilespmem:v43+s10+$0x0], $0xffff  }
0x12a: {  	v45 =	vor.u32 s21, v18;
	_ =	sdelay $0x3  }
0x12b: {  	[tilespmem:v44+s19+$0x0] =	vst.idx.msk $0xffff, v37  }
0x12c: {  	v46 =	vor.u32 v5, v63;
	v37 =	vld.idx.msk [tilespmem:v45+s10+$0x0], $0xffff  }
0x12d: {  	v47 =	vor.u32 s21, v19;
	_ =	sdelay $0x3  }
0x12e: {  	[tilespmem:v46+s19+$0x0] =	vst.idx.msk $0xffff, v37  }
0x12f: {  	v36 =	vor.u32 v7, v63;
	v37 =	vld.idx.msk [tilespmem:v47+s10+$0x0], $0xffff;
	_ =	sdelay $0x4  }
0x130: {  	[tilespmem:v36+s19+$0x0] =	vst.idx.msk $0xffff, v37  }
0x131: {  	_ =	swait.ge [sflag:s20], $0x2000  }
0x132: {  	[sflag:s20] =	ssyncset.done $0x0  }
0x133: {  	[sflag:s20] =	ssyncadd.s32 $0xFFFFE000  }
0x134: {  	_ =	swait.ge [sflag:s20], $0x2000  }
0x135: {  	[sflag:s20] =	ssyncset.done $0x0  }
0x136: {  	[sflag:s20] =	ssyncadd.s32 $0xFFFFE000  }
0x137: {  	s30 =	sand.u32 $0x7F, s3;
	_ =	swait.ge [sflag:s20], $0x2000  }
0x138: {  	s3 =	sadd.s32 $0xFFFFFFFD, s24;
	v48 =	vor.u32 s30, v20;
	[sflag:s20] =	ssyncset.done $0x0  }
0x139: {  	v49 =	vmov s3;
	[sflag:s20] =	ssyncadd.s32 $0xFFFFE000  }
0x13a: {  	v50 =	vshll.u32 v49, $0x3;
	_ =	swait.ge [sflag:s20], $0x2000  }
0x13b: {  	v38 =	vand.u32 $0xC00, v50;
	v37 =	vand.u32 $0x7C, v49;
	[sflag:s20] =	ssyncset.done $0x0  }
0x13c: {  	v37 =	vor.u32 v37, v38;
	[sflag:s20] =	ssyncadd.s32 $0xFFFFE000  }
0x13d: {  	v38 =	vor.u32 v1, v37;
	v36 =	vld.idx.msk [tilespmem:v48+s10+$0x0], $0xffff  }
0x13e: {  	v51 =	vor.u32 s30, v21;
	_ =	sdelay $0x3  }
0x13f: {  	[tilespmem:v38+s19+$0x0] =	vst.idx.msk $0xffff, v36  }
0x140: {  	v52 =	vor.u32 v3, v37;
	v36 =	vld.idx.msk [tilespmem:v51+s10+$0x0], $0xffff  }
0x141: {  	v53 =	vor.u32 s30, v22;
	_ =	sdelay $0x3  }
0x142: {  	[tilespmem:v52+s19+$0x0] =	vst.idx.msk $0xffff, v36  }
0x143: {  	v54 =	vor.u32 v5, v37;
	v36 =	vld.idx.msk [tilespmem:v53+s10+$0x0], $0xffff  }
0x144: {  	v55 =	vor.u32 s30, v23;
	_ =	sdelay $0x3  }
0x145: {  	[tilespmem:v54+s19+$0x0] =	vst.idx.msk $0xffff, v36  }
0x146: {  	s21 =	sand.u32 $0x7F, s31;
	v37 =	vor.u32 v7, v37;
	v36 =	vld.idx.msk [tilespmem:v55+s10+$0x0], $0xffff  }
0x147: {  	s28 =	sadd.s32 $0xFFFFFFFE, s24;
	v56 =	vor.u32 s21, v24  }
0x148: {  	v57 =	vmov s28  }
0x149: {  	v58 =	vshll.u32 v57, $0x3  }
0x14a: {  	v39 =	vand.u32 $0x7D, v57;
	v40 =	vand.u32 $0xC00, v58  }
0x14b: {  	v59 =	vor.u32 v39, v40;
	[tilespmem:v37+s19+$0x0] =	vst.idx.msk $0xffff, v36  }
0x14c: {  	v60 =	vor.u32 v1, v59;
	v37 =	vld.idx.msk [tilespmem:v56+s10+$0x0], $0xffff  }
0x14d: {  	v61 =	vor.u32 s21, v25;
	_ =	sdelay $0x3  }
0x14e: {  	[tilespmem:v60+s19+$0x0] =	vst.idx.msk $0xffff, v37  }
0x14f: {  	v62 =	vor.u32 v3, v59;
	v37 =	vld.idx.msk [tilespmem:v61+s10+$0x0], $0xffff  }
0x150: {  	v63 =	vor.u32 s21, v26;
	_ =	sdelay $0x3  }
0x151: {  	[tilespmem:v62+s19+$0x0] =	vst.idx.msk $0xffff, v37  }
0x152: {  	v42 =	vor.u32 v5, v59;
	v37 =	vld.idx.msk [tilespmem:v63+s10+$0x0], $0xffff  }
0x153: {  	v43 =	vor.u32 s21, v27;
	_ =	sdelay $0x3  }
0x154: {  	[tilespmem:v42+s19+$0x0] =	vst.idx.msk $0xffff, v37  }
0x155: {  	s29 =	sand.u32 $0x7F, s29;
	v36 =	vor.u32 v7, v59;
	v37 =	vld.idx.msk [tilespmem:v43+s10+$0x0], $0xffff  }
0x156: {  	s30 =	sadd.s32 $0xFFFFFFFF, s24;
	v44 =	vor.u32 s29, v28  }
0x157: {  	v45 =	vmov s30  }
0x158: {  	v46 =	vshll.u32 v45, $0x3  }
0x159: {  	v39 =	vand.u32 $0x7E, v45;
	v40 =	vand.u32 $0xC00, v46  }
0x15a: {  	v47 =	vor.u32 v39, v40;
	[tilespmem:v36+s19+$0x0] =	vst.idx.msk $0xffff, v37  }
0x15b: {  	v48 =	vor.u32 v1, v47;
	v37 =	vld.idx.msk [tilespmem:v44+s10+$0x0], $0xffff  }
0x15c: {  	v49 =	vor.u32 s29, v29;
	_ =	sdelay $0x3  }
0x15d: {  	[tilespmem:v48+s19+$0x0] =	vst.idx.msk $0xffff, v37  }
0x15e: {  	v50 =	vor.u32 v3, v47;
	v37 =	vld.idx.msk [tilespmem:v49+s10+$0x0], $0xffff  }
0x15f: {  	v51 =	vor.u32 s29, v30;
	_ =	sdelay $0x3  }
0x160: {  	[tilespmem:v50+s19+$0x0] =	vst.idx.msk $0xffff, v37  }
0x161: {  	v52 =	vor.u32 v5, v47;
	v37 =	vld.idx.msk [tilespmem:v51+s10+$0x0], $0xffff  }
0x162: {  	v53 =	vor.u32 s29, v31;
	_ =	sdelay $0x3  }
0x163: {  	[tilespmem:v52+s19+$0x0] =	vst.idx.msk $0xffff, v37  }
0x164: {  	s31 =	sand.u32 $0x7F, s26;
	v36 =	vor.u32 v7, v47;
	v37 =	vld.idx.msk [tilespmem:v53+s10+$0x0], $0xffff  }
0x165: {  	v54 =	vor.u32 s31, v32  }
0x166: {  	v55 =	vmov s24  }
0x167: {  	v56 =	vshll.u32 v55, $0x3  }
0x168: {  	v39 =	vand.u32 $0x7F, v55;
	v40 =	vand.u32 $0xC00, v56  }
0x169: {  	v57 =	vor.u32 v39, v40;
	[tilespmem:v36+s19+$0x0] =	vst.idx.msk $0xffff, v37  }
0x16a: {  	v58 =	vor.u32 v1, v57;
	v37 =	vld.idx.msk [tilespmem:v54+s10+$0x0], $0xffff  }
0x16b: {  	v59 =	vor.u32 s31, v33;
	_ =	sdelay $0x3  }
0x16c: {  	[tilespmem:v58+s19+$0x0] =	vst.idx.msk $0xffff, v37  }
0x16d: {  	v60 =	vor.u32 v3, v57;
	v37 =	vld.idx.msk [tilespmem:v59+s10+$0x0], $0xffff  }
0x16e: {  	v61 =	vor.u32 s31, v34;
	_ =	sdelay $0x3  }
0x16f: {  	[tilespmem:v60+s19+$0x0] =	vst.idx.msk $0xffff, v37  }
0x170: {  	v62 =	vor.u32 v5, v57;
	v37 =	vld.idx.msk [tilespmem:v61+s10+$0x0], $0xffff  }
0x171: {  	v63 =	vor.u32 s31, v35;
	_ =	sdelay $0x3  }
0x172: {  	[tilespmem:v62+s19+$0x0] =	vst.idx.msk $0xffff, v37  }
0x173: {  	p0 =	sne.s32 s24, $0x1FF;
	v36 =	vor.u32 v7, v57;
	v37 =	vld.idx.msk [tilespmem:v63+s10+$0x0], $0xffff  }
.Ltmp0:
0x174: {  	_ = 	snop;
	(pc) =	sbr.rel @p0 .LBB2_2-.Ltmp0, $2  }
0x175: {  	_ =	sdelay $0x2  }
0x176: {  	s25 =	sadd.s32 $0x10, s25;
	s24 =	sadd.s32 $0x10, s24;
	[tilespmem:v36+s19+$0x0] =	vst.idx.msk $0xffff, v37  }
0x177: {  	s23 =	sadd.s32 $0x1, s23  }
0x178: {  	p0 =	sne.s32 s23, s6  }
.Ltmp1:
0x179: {  	s1 =	simm.s32 $0x1000;
	(pc) =	sbr.rel @p0 .LBB2_1-.Ltmp1, $4  }
0x17a: {  	[hbm4b:s5+s1] =	stream.strided.scatter [tilespmem:s19], [sflag:$0x3], $0x8000, s22, s1, $0x38;
	[tilespmem:$0x18200] =	vst v63  }
0x17b: {  	_ =	swait.ge [sflag:s7], $0x8000  }
0x17c: {  	[sflag:s7] =	ssyncset.done $0x0  }
0x17d: {  	[sflag:s7] =	ssyncadd.s32 $0xFFFF8000  }
0x17e: {  	_ =	sfence.sel $0x180000  }
0x17f: {  	[bflag:$0x0] =	sbarrier.arrive $0xFFFF  }
0x180: {  	_ =	strace $0x90000047  }
0x181: {  	s0 =	stileid.u32;
	[bflag:$0x2] =	sbarrier.arrive $0xFFFF  }
0x182: {  	p0 =	sne.s32 s0, $0x0;
	s0 =	rddreg [dreg:$0x3]  }
0x183: {  	s0 =	sadd.s32 @!p0 $0x100000, s0  }
0x184: {  	[sflag:s0] =	ssyncadd.tile.s32 @!p0 $0x1;
	_ =	shalt  }
.Lfunc_end2:
_tile_overlayer_lowered:
.L_overlay_start_2:
0x185: {  	(tag) =	ssettag $0x2  }
0x186: {  	s0 =	rddreg [dreg:$0x0];
	s2 =	stileid.u32  }
0x187: {  	s1 =	rddreg [dreg:$0x1];
	p0 =	sne.s32 s2, $0x0  }
0x188: {  	s3 =	rddreg [dreg:$0x2];
	[bflag:$0x3] =	sbarrier.arrive $0xFFFF;
	s2 =	simm.s32 @!p0 $0x1C03  }
0x189: {  	[timem:s3], [sflag:s2] =	dma.local @!p0 [hbm:s0], s1  }
0x18a: {  	s0 =	simm.s32 @!p0 $0x3  }
0x18b: {  	_ =	swait.ge @!p0 [sflag:s0], s1  }
0x18c: {  	s1 =	ssub.s32 @!p0 $0x0, s1;
	[sflag:s0] =	ssyncset.done @!p0 $0x0  }
0x18d: {  	[sflag:s0] =	ssyncadd.s32 @!p0 s1  }
0x18e: {  	[bflag:$0x3] =	sbarrier.arrive $0xFFFF  }
0x18f: {  	_ =	shalt  }

</sc_bundles>
